<compile_context>
chip_gen: v7x
topology: tpu7x:2x2x1
jax: 0.10.2.dev20260603
libtpu: 0.0.44.dev20260713+nightly
codegen_flags: <defaults>
</compile_context>

<pallas_src>
import functools

import jax
import jax.numpy as jnp
from jax import lax
from jax.experimental import pallas as pl
from jax.experimental.pallas import tpu as pltpu
from jax.experimental.pallas import tpu_sc as plsc

N_NODES = 10000
DEG = 32
EMBED = 128
NW = 32
SLICE = 128
NBUF = 6

NCHUNK = 1
CH = N_NODES // NCHUNK
E_PER_W = CH * DEG // NW
E_FULL = E_PER_W // SLICE
E_TAIL = E_PER_W - E_FULL * SLICE
U_PER_W = -(-CH // NW // SLICE + 0) * SLICE if CH // NW else SLICE
U_PER_W = ((CH + NW - 1) // NW + SLICE - 1) // SLICE * SLICE
U_SLICES = U_PER_W // SLICE
U_ROWS = NW * U_PER_W
E_SLICES = E_FULL + (1 if E_TAIL else 0)
IDX_SLICES = E_SLICES + U_SLICES
RING_ITERS = E_FULL // NBUF

NB = 400


def _gather_body(table, idx, out_e, out_u, idx_v, *rest):
    bufs = rest[:NBUF]
    gs = rest[NBUF:2 * NBUF]
    ss = rest[2 * NBUF:3 * NBUF]
    wid = lax.axis_index("s") * 2 + lax.axis_index("c")
    e_base = wid * E_PER_W
    u_base = wid * U_PER_W

    pltpu.sync_copy(idx.at[wid], idx_v)

    def g_start(s, b):
        pltpu.async_copy(table.at[idx_v.at[s]], bufs[b], gs[b])

    def g_wait(b):
        pltpu.make_async_copy(table.at[idx_v.at[0]], bufs[b], gs[b]).wait()

    def s_start(s, b):
        pltpu.async_copy(bufs[b], out_e.at[pl.ds(e_base + s * SLICE, SLICE)],
                         ss[b])

    def s_wait(b):
        pltpu.make_async_copy(bufs[b],
                              out_e.at[pl.ds(e_base, SLICE)], ss[b]).wait()

    for b in range(NBUF):
        g_start(b, b)

    def body(g, carry):
        for b in range(NBUF):
            g_wait(b)
            s_start(NBUF * g + b, b)
        for b in range(NBUF):
            s_wait(b)
            g_start(NBUF * (g + 1) + b, b)
        return carry

    if RING_ITERS > 1:
        lax.fori_loop(0, RING_ITERS - 1, body, 0)

    gl = RING_ITERS - 1
    for b in range(NBUF):
        g_wait(b)
        s_start(NBUF * gl + b, b)

    extra = list(range(NBUF * RING_ITERS, IDX_SLICES))
    for j, s in enumerate(extra):
        b = j % NBUF
        s_wait(b)
        g_start(s, b)
    for b in range(len(extra), NBUF):
        s_wait(b)

    for j, s in enumerate(extra):
        b = j % NBUF
        g_wait(b)
        if s < E_FULL:
            pltpu.sync_copy(bufs[b], out_e.at[pl.ds(e_base + s * SLICE, SLICE)])
        elif s < E_SLICES:
            pltpu.sync_copy(bufs[b].at[pl.ds(0, E_TAIL)],
                            out_e.at[pl.ds(e_base + s * SLICE, E_TAIL)])
        else:
            k = s - E_SLICES
            pltpu.sync_copy(bufs[b], out_u.at[pl.ds(u_base + k * SLICE, SLICE)])


def _sc_gather(table, idx):
    mesh = plsc.VectorSubcoreMesh(core_axis_name="c", subcore_axis_name="s")
    fn = functools.partial(
        pl.kernel,
        mesh=mesh,
        out_type=[
            jax.ShapeDtypeStruct((CH * DEG, EMBED), jnp.float32),
            jax.ShapeDtypeStruct((U_ROWS, EMBED), jnp.float32),
        ],
        scratch_types=(
            [pltpu.VMEM((IDX_SLICES, SLICE), jnp.int32)]
            + [pltpu.VMEM((SLICE, EMBED), jnp.float32) for _ in range(NBUF)]
            + [pltpu.SemaphoreType.DMA for _ in range(2 * NBUF)]
        ),
    )(_gather_body)
    return fn(table, idx)


def _mlp_body(e_ref, u_ref, w1a_ref, w1b_ref, b1_ref, w2_ref, b2_ref,
              w3_ref, o_ref):
    e2 = e_ref[...]
    u = u_ref[...]
    bsum = jnp.dot(u, w1b_ref[...], preferred_element_type=jnp.float32)
    bsum = bsum + b1_ref[...]
    bex = jnp.broadcast_to(bsum[:, None, :], (NB, DEG, EMBED))
    bex = bex.reshape(NB * DEG, EMBED)
    h1 = jnp.dot(e2, w1a_ref[...], preferred_element_type=jnp.float32) + bex
    h1 = jnp.maximum(h1, 0.0)
    h2 = jnp.dot(h1, w2_ref[...], preferred_element_type=jnp.float32)
    h2 = jnp.maximum(h2 + b2_ref[...], 0.0)
    s = jnp.dot(h2, w3_ref[...], preferred_element_type=jnp.float32)
    s3 = s.reshape(NB, DEG, 1)
    m = jnp.max(s3, axis=1, keepdims=True)
    p = jnp.exp(s3 - m)
    att = p / jnp.sum(p, axis=1, keepdims=True)
    e3 = e2.reshape(NB, DEG, EMBED)
    o_ref[...] = jnp.sum(e3 * att, axis=1)


def _tc_mlp(eg, ug, W1a, W1b, b1, W2, b2, W3):
    grid = (CH // NB,)
    return pl.pallas_call(
        _mlp_body,
        grid=grid,
        in_specs=[
            pl.BlockSpec((NB * DEG, EMBED), lambda i: (i, 0)),
            pl.BlockSpec((NB, EMBED), lambda i: (i, 0)),
            pl.BlockSpec((EMBED, EMBED), lambda i: (0, 0)),
            pl.BlockSpec((EMBED, EMBED), lambda i: (0, 0)),
            pl.BlockSpec((1, EMBED), lambda i: (0, 0)),
            pl.BlockSpec((EMBED, EMBED), lambda i: (0, 0)),
            pl.BlockSpec((1, EMBED), lambda i: (0, 0)),
            pl.BlockSpec((EMBED, 1), lambda i: (0, 0)),
        ],
        out_specs=pl.BlockSpec((NB, EMBED), lambda i: (i, 0)),
        out_shape=jax.ShapeDtypeStruct((CH, EMBED), jnp.float32),
    )(eg, ug, W1a, W1b, b1, W2, b2, W3)


def kernel(nodes, to_neighs, u2e_weight, W1, b1, W2, b2, W3, b3):
    W1a = W1[:EMBED, :]
    W1b = W1[EMBED:, :]
    b1r = b1.reshape(1, EMBED)
    b2r = b2.reshape(1, EMBED)

    outs = []
    for c in range(NCHUNK):
        nodes_c = lax.dynamic_slice_in_dim(nodes, c * CH, CH)
        tn_c = lax.dynamic_slice_in_dim(to_neighs, c * CH, CH)
        e_idx = tn_c.reshape(NW, E_PER_W)
        if E_TAIL:
            e_idx = jnp.pad(e_idx, ((0, 0), (0, SLICE - E_TAIL)))
        u_idx = jnp.pad(nodes_c, (0, U_ROWS - CH)).reshape(NW, U_PER_W)
        idx = jnp.concatenate([e_idx, u_idx], axis=1).reshape(
            NW, IDX_SLICES, SLICE)

        eg, ug = _sc_gather(u2e_weight, idx)
        outs.append(_tc_mlp(eg, ug, W1a, W1b, b1r, W2, b2r, W3))

    del b3
    return jnp.concatenate(outs, axis=0)

# --- scband reference (transcript-rebuilt; emitter-appended) ---
"""Pipeline reference for scband-social-aggregator-30039001268869 (READ-ONLY COPY).

The authoritative reference and input builder live on the scoring server;
editing this copy changes nothing except your own understanding.
"""

import jax, jax.numpy as jnp
import numpy as np

NUM_USERS = 100000
EMBED = 128
N_NODES = 10000
DEG = 32

def setup_inputs(seed: int = 0) -> dict:
    key = jax.random.key(seed)
    ks = jax.random.split(key, 9)
    nodes = jax.random.randint(ks[0], (N_NODES,), 0, NUM_USERS, dtype=jnp.int64 if jax.config.jax_enable_x64 else jnp.int32).astype(jnp.int32)
    to_neighs = jax.random.randint(ks[1], (N_NODES, DEG), 0, NUM_USERS).astype(jnp.int32)
    u2e_weight = jax.random.normal(ks[2], (NUM_USERS, EMBED), dtype=jnp.float32) * 0.05
    W1 = jax.random.normal(ks[3], (2 * EMBED, EMBED), dtype=jnp.float32) * 0.05
    b1 = jnp.zeros((EMBED,), dtype=jnp.float32)
    W2 = jax.random.normal(ks[4], (EMBED, EMBED), dtype=jnp.float32) * 0.05
    b2 = jnp.zeros((EMBED,), dtype=jnp.float32)
    W3 = jax.random.normal(ks[5], (EMBED, 1), dtype=jnp.float32) * 0.05
    b3 = jnp.zeros((1,), dtype=jnp.float32)
    return {"nodes": nodes, "to_neighs": to_neighs, "u2e_weight": u2e_weight,
            "W1": W1, "b1": b1, "W2": W2, "b2": b2, "W3": W3, "b3": b3}

def reference(nodes, to_neighs, u2e_weight, W1, b1, W2, b2, W3, b3):
    # Gather neighbor embeddings: e_u = u2e.weight[list(tmp_adj)] for each node, vectorized
    e_u = jnp.take(u2e_weight, to_neighs, axis=0)          # [N, DEG, E]
    u_rep = jnp.take(u2e_weight, nodes, axis=0)            # [N, E]
    # Attention MLP (GraphRec Attention): cat(neigh, u_rep.repeat) -> relu(att1) -> relu(att2) -> att3 -> softmax over neighbors
    uv = jnp.broadcast_to(u_rep[:, None, :], e_u.shape)    # [N, DEG, E]
    x = jnp.concatenate([e_u, uv], axis=-1)                # [N, DEG, 2E]
    x = jax.nn.relu(x @ W1 + b1)                           # dropout is identity in eval mode
    x = jax.nn.relu(x @ W2 + b2)
    x = x @ W3 + b3                                        # [N, DEG, 1]
    att = jax.nn.softmax(x, axis=1)                        # softmax over neighbors (dim 0 per node)
    # att_history = (e_u.T @ att_w).T  == weighted sum of neighbor embeddings
    out = jnp.sum(e_u * att, axis=1)                       # [N, E]
    return out

if __name__ == "__main__":
    import jax
    _d = setup_inputs()
    print(jax.jit(kernel)(*tuple(_d.values())))

</pallas_src>

<mosaic_0001>
#map = affine_map<(d0, d1) -> (0, 0)>
#map1 = affine_map<(d0, d1) -> (0, 0, 0)>
module attributes {stable_mosaic.version = 14 : i64} {
  func.func @_gather_body(%arg0: i32, %arg1: i32, %arg2: memref<100000x128xf32, #tpu.memory_space<hbm>>, %arg3: memref<32x82x128xi32, #tpu.memory_space<hbm>>, %arg4: memref<320000x128xf32, #tpu.memory_space<hbm>>, %arg5: memref<12288x128xf32, #tpu.memory_space<hbm>>, %arg6: memref<82x128xi32, #tpu.memory_space<vmem>>, %arg7: memref<128x128xf32, #tpu.memory_space<vmem>>, %arg8: memref<128x128xf32, #tpu.memory_space<vmem>>, %arg9: memref<128x128xf32, #tpu.memory_space<vmem>>, %arg10: memref<128x128xf32, #tpu.memory_space<vmem>>, %arg11: memref<128x128xf32, #tpu.memory_space<vmem>>, %arg12: memref<128x128xf32, #tpu.memory_space<vmem>>, %arg13: memref<!tpu.dma_semaphore, #tpu.memory_space<semaphore_mem>>, %arg14: memref<!tpu.dma_semaphore, #tpu.memory_space<semaphore_mem>>, %arg15: memref<!tpu.dma_semaphore, #tpu.memory_space<semaphore_mem>>, %arg16: memref<!tpu.dma_semaphore, #tpu.memory_space<semaphore_mem>>, %arg17: memref<!tpu.dma_semaphore, #tpu.memory_space<semaphore_mem>>, %arg18: memref<!tpu.dma_semaphore, #tpu.memory_space<semaphore_mem>>, %arg19: memref<!tpu.dma_semaphore, #tpu.memory_space<semaphore_mem>>, %arg20: memref<!tpu.dma_semaphore, #tpu.memory_space<semaphore_mem>>, %arg21: memref<!tpu.dma_semaphore, #tpu.memory_space<semaphore_mem>>, %arg22: memref<!tpu.dma_semaphore, #tpu.memory_space<semaphore_mem>>, %arg23: memref<!tpu.dma_semaphore, #tpu.memory_space<semaphore_mem>>, %arg24: memref<!tpu.dma_semaphore, #tpu.memory_space<semaphore_mem>>) attributes {dimension_semantics = [#tpu.dimension_semantics<core_parallel>, #tpu.dimension_semantics<subcore_parallel>], iteration_bounds = array<i64: 2, 16>, scalar_prefetch = 0 : i64, scratch_operands = 19 : i64, tpu.core_type = #tpu.core_type<sc_vector_subcore>, window_params = [{transform_indices = #map}, {transform_indices = #map1}, {transform_indices = #map}, {transform_indices = #map}]} {
    %mul3A = arith.constant 2 : i32
    %mul3A_0 = arith.muli %arg1, %mul3A : i32
    %add3A = arith.addi %mul3A_0, %arg0 : i32
    %mul3A_1 = arith.constant 10000 : i32
    %mul3A_2 = arith.muli %add3A, %mul3A_1 : i32
    %mul3A_3 = arith.constant 384 : i32
    %mul3A_4 = arith.muli %add3A, %mul3A_3 : i32
    "tpu.region"() ({
      %run_scoped3A = tpu.sem_alloc : memref<!tpu.dma_semaphore, #tpu.memory_space<semaphore_mem>>
      %dma_start3A_216 = arith.constant 0 : i32
      %dma_start3A_217 = arith.constant 0 : i32
      %dma_start3A_218 = tpu.memref_slice %arg3[%add3A, %dma_start3A_216, %dma_start3A_217] : memref<32x82x128xi32, #tpu.memory_space<hbm>> -> memref<1x82x128xi32, #tpu.memory_space<hbm>>
      %dma_start3A_219 = tpu.memref_squeeze %dma_start3A_218 : memref<1x82x128xi32, #tpu.memory_space<hbm>> -> memref<82x128xi32, #tpu.memory_space<hbm>>
      %dma_start3A_220 = arith.constant 0 : i32
      %dma_start3A_221 = arith.constant 0 : i32
      %dma_start3A_222 = tpu.memref_slice %arg3[%add3A, %dma_start3A_220, %dma_start3A_221] : memref<32x82x128xi32, #tpu.memory_space<hbm>> -> memref<1x82x128xi32, #tpu.memory_space<hbm>>
      %dma_start3A_223 = tpu.memref_squeeze %dma_start3A_222 : memref<1x82x128xi32, #tpu.memory_space<hbm>> -> memref<82x128xi32, #tpu.memory_space<hbm>>
      tpu.enqueue_dma source(%dma_start3A_223 : memref<82x128xi32, #tpu.memory_space<hbm>>) target(%arg6 : memref<82x128xi32, #tpu.memory_space<vmem>>) target_semaphore(%run_scoped3A : memref<!tpu.dma_semaphore, #tpu.memory_space<semaphore_mem>>)
      %dma_wait3A_224 = arith.constant 0 : i32
      %dma_wait3A_225 = arith.constant 0 : i32
      %dma_wait3A_226 = tpu.memref_slice %arg3[%add3A, %dma_wait3A_224, %dma_wait3A_225] : memref<32x82x128xi32, #tpu.memory_space<hbm>> -> memref<1x82x128xi32, #tpu.memory_space<hbm>>
      %dma_wait3A_227 = tpu.memref_squeeze %dma_wait3A_226 : memref<1x82x128xi32, #tpu.memory_space<hbm>> -> memref<82x128xi32, #tpu.memory_space<hbm>>
      %dma_wait3A_228 = arith.constant 0 : i32
      %dma_wait3A_229 = arith.constant 0 : i32
      %dma_wait3A_230 = tpu.memref_slice %arg3[%add3A, %dma_wait3A_228, %dma_wait3A_229] : memref<32x82x128xi32, #tpu.memory_space<hbm>> -> memref<1x82x128xi32, #tpu.memory_space<hbm>>
      %dma_wait3A_231 = tpu.memref_squeeze %dma_wait3A_230 : memref<1x82x128xi32, #tpu.memory_space<hbm>> -> memref<82x128xi32, #tpu.memory_space<hbm>>
      tpu.wait_dma2 semaphore(%run_scoped3A : memref<!tpu.dma_semaphore, #tpu.memory_space<semaphore_mem>>) src(%dma_wait3A_231 : memref<82x128xi32, #tpu.memory_space<hbm>>) dst(%arg6 : memref<82x128xi32, #tpu.memory_space<vmem>>)
      tpu.yield
    }) : () -> ()
    %dma_start3A = arith.constant 0 : i32
    %dma_start3A_5 = arith.constant 0 : i32
    %dma_start3A_6 = tpu.memref_slice %arg6[%dma_start3A, %dma_start3A_5] : memref<82x128xi32, #tpu.memory_space<vmem>> -> memref<1x128xi32, #tpu.memory_space<vmem>>
    %dma_start3A_7 = tpu.memref_squeeze %dma_start3A_6 : memref<1x128xi32, #tpu.memory_space<vmem>> -> memref<128xi32, #tpu.memory_space<vmem>>
    %dma_start3A_8 = arith.constant 0 : i32
    %dma_start3A_9 = arith.constant 0 : i32
    %dma_start3A_10 = tpu.memref_slice %arg2[%dma_start3A_8, %dma_start3A_9] : memref<100000x128xf32, #tpu.memory_space<hbm>> -> memref<100000x128xf32, #tpu.memory_space<hbm>>
    tpu.enqueue_indirect_dma source(%dma_start3A_10 : memref<100000x128xf32, #tpu.memory_space<hbm>>) target(%arg7 : memref<128x128xf32, #tpu.memory_space<vmem>>) offsets(%dma_start3A_7 : memref<128xi32, #tpu.memory_space<vmem>>) semaphore(%arg13 : memref<!tpu.dma_semaphore, #tpu.memory_space<semaphore_mem>>)
    %dma_start3A_11 = arith.constant 1 : i32
    %dma_start3A_12 = arith.constant 0 : i32
    %dma_start3A_13 = tpu.memref_slice %arg6[%dma_start3A_11, %dma_start3A_12] : memref<82x128xi32, #tpu.memory_space<vmem>> -> memref<1x128xi32, #tpu.memory_space<vmem>>
    %dma_start3A_14 = tpu.memref_squeeze %dma_start3A_13 : memref<1x128xi32, #tpu.memory_space<vmem>> -> memref<128xi32, #tpu.memory_space<vmem>>
    %dma_start3A_15 = arith.constant 0 : i32
    %dma_start3A_16 = arith.constant 0 : i32
    %dma_start3A_17 = tpu.memref_slice %arg2[%dma_start3A_15, %dma_start3A_16] : memref<100000x128xf32, #tpu.memory_space<hbm>> -> memref<100000x128xf32, #tpu.memory_space<hbm>>
    tpu.enqueue_indirect_dma source(%dma_start3A_17 : memref<100000x128xf32, #tpu.memory_space<hbm>>) target(%arg8 : memref<128x128xf32, #tpu.memory_space<vmem>>) offsets(%dma_start3A_14 : memref<128xi32, #tpu.memory_space<vmem>>) semaphore(%arg14 : memref<!tpu.dma_semaphore, #tpu.memory_space<semaphore_mem>>)
    %dma_start3A_18 = arith.constant 2 : i32
    %dma_start3A_19 = arith.constant 0 : i32
    %dma_start3A_20 = tpu.memref_slice %arg6[%dma_start3A_18, %dma_start3A_19] : memref<82x128xi32, #tpu.memory_space<vmem>> -> memref<1x128xi32, #tpu.memory_space<vmem>>
    %dma_start3A_21 = tpu.memref_squeeze %dma_start3A_20 : memref<1x128xi32, #tpu.memory_space<vmem>> -> memref<128xi32, #tpu.memory_space<vmem>>
    %dma_start3A_22 = arith.constant 0 : i32
    %dma_start3A_23 = arith.constant 0 : i32
    %dma_start3A_24 = tpu.memref_slice %arg2[%dma_start3A_22, %dma_start3A_23] : memref<100000x128xf32, #tpu.memory_space<hbm>> -> memref<100000x128xf32, #tpu.memory_space<hbm>>
    tpu.enqueue_indirect_dma source(%dma_start3A_24 : memref<100000x128xf32, #tpu.memory_space<hbm>>) target(%arg9 : memref<128x128xf32, #tpu.memory_space<vmem>>) offsets(%dma_start3A_21 : memref<128xi32, #tpu.memory_space<vmem>>) semaphore(%arg15 : memref<!tpu.dma_semaphore, #tpu.memory_space<semaphore_mem>>)
    %dma_start3A_25 = arith.constant 3 : i32
    %dma_start3A_26 = arith.constant 0 : i32
    %dma_start3A_27 = tpu.memref_slice %arg6[%dma_start3A_25, %dma_start3A_26] : memref<82x128xi32, #tpu.memory_space<vmem>> -> memref<1x128xi32, #tpu.memory_space<vmem>>
    %dma_start3A_28 = tpu.memref_squeeze %dma_start3A_27 : memref<1x128xi32, #tpu.memory_space<vmem>> -> memref<128xi32, #tpu.memory_space<vmem>>
    %dma_start3A_29 = arith.constant 0 : i32
    %dma_start3A_30 = arith.constant 0 : i32
    %dma_start3A_31 = tpu.memref_slice %arg2[%dma_start3A_29, %dma_start3A_30] : memref<100000x128xf32, #tpu.memory_space<hbm>> -> memref<100000x128xf32, #tpu.memory_space<hbm>>
    tpu.enqueue_indirect_dma source(%dma_start3A_31 : memref<100000x128xf32, #tpu.memory_space<hbm>>) target(%arg10 : memref<128x128xf32, #tpu.memory_space<vmem>>) offsets(%dma_start3A_28 : memref<128xi32, #tpu.memory_space<vmem>>) semaphore(%arg16 : memref<!tpu.dma_semaphore, #tpu.memory_space<semaphore_mem>>)
    %dma_start3A_32 = arith.constant 4 : i32
    %dma_start3A_33 = arith.constant 0 : i32
    %dma_start3A_34 = tpu.memref_slice %arg6[%dma_start3A_32, %dma_start3A_33] : memref<82x128xi32, #tpu.memory_space<vmem>> -> memref<1x128xi32, #tpu.memory_space<vmem>>
    %dma_start3A_35 = tpu.memref_squeeze %dma_start3A_34 : memref<1x128xi32, #tpu.memory_space<vmem>> -> memref<128xi32, #tpu.memory_space<vmem>>
    %dma_start3A_36 = arith.constant 0 : i32
    %dma_start3A_37 = arith.constant 0 : i32
    %dma_start3A_38 = tpu.memref_slice %arg2[%dma_start3A_36, %dma_start3A_37] : memref<100000x128xf32, #tpu.memory_space<hbm>> -> memref<100000x128xf32, #tpu.memory_space<hbm>>
    tpu.enqueue_indirect_dma source(%dma_start3A_38 : memref<100000x128xf32, #tpu.memory_space<hbm>>) target(%arg11 : memref<128x128xf32, #tpu.memory_space<vmem>>) offsets(%dma_start3A_35 : memref<128xi32, #tpu.memory_space<vmem>>) semaphore(%arg17 : memref<!tpu.dma_semaphore, #tpu.memory_space<semaphore_mem>>)
    %dma_start3A_39 = arith.constant 5 : i32
    %dma_start3A_40 = arith.constant 0 : i32
    %dma_start3A_41 = tpu.memref_slice %arg6[%dma_start3A_39, %dma_start3A_40] : memref<82x128xi32, #tpu.memory_space<vmem>> -> memref<1x128xi32, #tpu.memory_space<vmem>>
    %dma_start3A_42 = tpu.memref_squeeze %dma_start3A_41 : memref<1x128xi32, #tpu.memory_space<vmem>> -> memref<128xi32, #tpu.memory_space<vmem>>
    %dma_start3A_43 = arith.constant 0 : i32
    %dma_start3A_44 = arith.constant 0 : i32
    %dma_start3A_45 = tpu.memref_slice %arg2[%dma_start3A_43, %dma_start3A_44] : memref<100000x128xf32, #tpu.memory_space<hbm>> -> memref<100000x128xf32, #tpu.memory_space<hbm>>
    tpu.enqueue_indirect_dma source(%dma_start3A_45 : memref<100000x128xf32, #tpu.memory_space<hbm>>) target(%arg12 : memref<128x128xf32, #tpu.memory_space<vmem>>) offsets(%dma_start3A_42 : memref<128xi32, #tpu.memory_space<vmem>>) semaphore(%arg18 : memref<!tpu.dma_semaphore, #tpu.memory_space<semaphore_mem>>)
    %scan3A = arith.constant 0 : i32
    %scan3A_46 = arith.constant 0 : i32
    %scan3A_47 = arith.constant 12 : i32
    %scan3A_48 = arith.addi %scan3A_46, %scan3A_47 : i32
    %scan3A_49 = arith.constant 1 : i32
    scf.for %scan3A_216 = %scan3A_46 to %scan3A_48 step %scan3A_49  : i32 {
      %dma_wait3A_217 = arith.constant 0 : i32
      %dma_wait3A_218 = arith.constant 0 : i32
      %dma_wait3A_219 = tpu.memref_slice %arg6[%dma_wait3A_217, %dma_wait3A_218] : memref<82x128xi32, #tpu.memory_space<vmem>> -> memref<1x128xi32, #tpu.memory_space<vmem>>
      %dma_wait3A_220 = tpu.memref_squeeze %dma_wait3A_219 : memref<1x128xi32, #tpu.memory_space<vmem>> -> memref<128xi32, #tpu.memory_space<vmem>>
      %dma_wait3A_221 = arith.constant 0 : i32
      %dma_wait3A_222 = arith.constant 0 : i32
      %dma_wait3A_223 = tpu.memref_slice %arg2[%dma_wait3A_221, %dma_wait3A_222] : memref<100000x128xf32, #tpu.memory_space<hbm>> -> memref<100000x128xf32, #tpu.memory_space<hbm>>
      tpu.wait_indirect_dma semaphore(%arg13 : memref<!tpu.dma_semaphore, #tpu.memory_space<semaphore_mem>>) src(%dma_wait3A_223 : memref<100000x128xf32, #tpu.memory_space<hbm>>) dst(%arg7 : memref<128x128xf32, #tpu.memory_space<vmem>>)
      %mul3A_224 = arith.constant 6 : i32
      %mul3A_225 = arith.muli %mul3A_224, %scan3A_216 : i32
      %add3A_226 = arith.constant 0 : i32
      %add3A_227 = arith.addi %mul3A_225, %add3A_226 : i32
      %mul3A_228 = arith.constant 128 : i32
      %mul3A_229 = arith.muli %add3A_227, %mul3A_228 : i32
      %add3A_230 = arith.addi %mul3A_2, %mul3A_229 : i32
      %dma_start3A_231 = arith.constant 0 : i32
      %dma_start3A_232 = tpu.memref_slice %arg4[%add3A_230, %dma_start3A_231] : memref<320000x128xf32, #tpu.memory_space<hbm>> -> memref<128x128xf32, #tpu.memory_space<hbm>>
      %dma_start3A_233 = arith.constant 0 : i32
      %dma_start3A_234 = tpu.memref_slice %arg4[%add3A_230, %dma_start3A_233] : memref<320000x128xf32, #tpu.memory_space<hbm>> -> memref<128x128xf32, #tpu.memory_space<hbm>>
      tpu.enqueue_dma source(%arg7 : memref<128x128xf32, #tpu.memory_space<vmem>>) target(%dma_start3A_234 : memref<128x128xf32, #tpu.memory_space<hbm>>) target_semaphore(%arg19 : memref<!tpu.dma_semaphore, #tpu.memory_space<semaphore_mem>>)
      %dma_wait3A_235 = arith.constant 0 : i32
      %dma_wait3A_236 = arith.constant 0 : i32
      %dma_wait3A_237 = tpu.memref_slice %arg6[%dma_wait3A_235, %dma_wait3A_236] : memref<82x128xi32, #tpu.memory_space<vmem>> -> memref<1x128xi32, #tpu.memory_space<vmem>>
      %dma_wait3A_238 = tpu.memref_squeeze %dma_wait3A_237 : memref<1x128xi32, #tpu.memory_space<vmem>> -> memref<128xi32, #tpu.memory_space<vmem>>
      %dma_wait3A_239 = arith.constant 0 : i32
      %dma_wait3A_240 = arith.constant 0 : i32
      %dma_wait3A_241 = tpu.memref_slice %arg2[%dma_wait3A_239, %dma_wait3A_240] : memref<100000x128xf32, #tpu.memory_space<hbm>> -> memref<100000x128xf32, #tpu.memory_space<hbm>>
      tpu.wait_indirect_dma semaphore(%arg14 : memref<!tpu.dma_semaphore, #tpu.memory_space<semaphore_mem>>) src(%dma_wait3A_241 : memref<100000x128xf32, #tpu.memory_space<hbm>>) dst(%arg8 : memref<128x128xf32, #tpu.memory_space<vmem>>)
      %mul3A_242 = arith.constant 6 : i32
      %mul3A_243 = arith.muli %mul3A_242, %scan3A_216 : i32
      %add3A_244 = arith.constant 1 : i32
      %add3A_245 = arith.addi %mul3A_243, %add3A_244 : i32
      %mul3A_246 = arith.constant 128 : i32
      %mul3A_247 = arith.muli %add3A_245, %mul3A_246 : i32
      %add3A_248 = arith.addi %mul3A_2, %mul3A_247 : i32
      %dma_start3A_249 = arith.constant 0 : i32
      %dma_start3A_250 = tpu.memref_slice %arg4[%add3A_248, %dma_start3A_249] : memref<320000x128xf32, #tpu.memory_space<hbm>> -> memref<128x128xf32, #tpu.memory_space<hbm>>
      %dma_start3A_251 = arith.constant 0 : i32
      %dma_start3A_252 = tpu.memref_slice %arg4[%add3A_248, %dma_start3A_251] : memref<320000x128xf32, #tpu.memory_space<hbm>> -> memref<128x128xf32, #tpu.memory_space<hbm>>
      tpu.enqueue_dma source(%arg8 : memref<128x128xf32, #tpu.memory_space<vmem>>) target(%dma_start3A_252 : memref<128x128xf32, #tpu.memory_space<hbm>>) target_semaphore(%arg20 : memref<!tpu.dma_semaphore, #tpu.memory_space<semaphore_mem>>)
      %dma_wait3A_253 = arith.constant 0 : i32
      %dma_wait3A_254 = arith.constant 0 : i32
      %dma_wait3A_255 = tpu.memref_slice %arg6[%dma_wait3A_253, %dma_wait3A_254] : memref<82x128xi32, #tpu.memory_space<vmem>> -> memref<1x128xi32, #tpu.memory_space<vmem>>
      %dma_wait3A_256 = tpu.memref_squeeze %dma_wait3A_255 : memref<1x128xi32, #tpu.memory_space<vmem>> -> memref<128xi32, #tpu.memory_space<vmem>>
      %dma_wait3A_257 = arith.constant 0 : i32
      %dma_wait3A_258 = arith.constant 0 : i32
      %dma_wait3A_259 = tpu.memref_slice %arg2[%dma_wait3A_257, %dma_wait3A_258] : memref<100000x128xf32, #tpu.memory_space<hbm>> -> memref<100000x128xf32, #tpu.memory_space<hbm>>
      tpu.wait_indirect_dma semaphore(%arg15 : memref<!tpu.dma_semaphore, #tpu.memory_space<semaphore_mem>>) src(%dma_wait3A_259 : memref<100000x128xf32, #tpu.memory_space<hbm>>) dst(%arg9 : memref<128x128xf32, #tpu.memory_space<vmem>>)
      %mul3A_260 = arith.constant 6 : i32
      %mul3A_261 = arith.muli %mul3A_260, %scan3A_216 : i32
      %add3A_262 = arith.constant 2 : i32
      %add3A_263 = arith.addi %mul3A_261, %add3A_262 : i32
      %mul3A_264 = arith.constant 128 : i32
      %mul3A_265 = arith.muli %add3A_263, %mul3A_264 : i32
      %add3A_266 = arith.addi %mul3A_2, %mul3A_265 : i32
      %dma_start3A_267 = arith.constant 0 : i32
      %dma_start3A_268 = tpu.memref_slice %arg4[%add3A_266, %dma_start3A_267] : memref<320000x128xf32, #tpu.memory_space<hbm>> -> memref<128x128xf32, #tpu.memory_space<hbm>>
      %dma_start3A_269 = arith.constant 0 : i32
      %dma_start3A_270 = tpu.memref_slice %arg4[%add3A_266, %dma_start3A_269] : memref<320000x128xf32, #tpu.memory_space<hbm>> -> memref<128x128xf32, #tpu.memory_space<hbm>>
      tpu.enqueue_dma source(%arg9 : memref<128x128xf32, #tpu.memory_space<vmem>>) target(%dma_start3A_270 : memref<128x128xf32, #tpu.memory_space<hbm>>) target_semaphore(%arg21 : memref<!tpu.dma_semaphore, #tpu.memory_space<semaphore_mem>>)
      %dma_wait3A_271 = arith.constant 0 : i32
      %dma_wait3A_272 = arith.constant 0 : i32
      %dma_wait3A_273 = tpu.memref_slice %arg6[%dma_wait3A_271, %dma_wait3A_272] : memref<82x128xi32, #tpu.memory_space<vmem>> -> memref<1x128xi32, #tpu.memory_space<vmem>>
      %dma_wait3A_274 = tpu.memref_squeeze %dma_wait3A_273 : memref<1x128xi32, #tpu.memory_space<vmem>> -> memref<128xi32, #tpu.memory_space<vmem>>
      %dma_wait3A_275 = arith.constant 0 : i32
      %dma_wait3A_276 = arith.constant 0 : i32
      %dma_wait3A_277 = tpu.memref_slice %arg2[%dma_wait3A_275, %dma_wait3A_276] : memref<100000x128xf32, #tpu.memory_space<hbm>> -> memref<100000x128xf32, #tpu.memory_space<hbm>>
      tpu.wait_indirect_dma semaphore(%arg16 : memref<!tpu.dma_semaphore, #tpu.memory_space<semaphore_mem>>) src(%dma_wait3A_277 : memref<100000x128xf32, #tpu.memory_space<hbm>>) dst(%arg10 : memref<128x128xf32, #tpu.memory_space<vmem>>)
      %mul3A_278 = arith.constant 6 : i32
      %mul3A_279 = arith.muli %mul3A_278, %scan3A_216 : i32
      %add3A_280 = arith.constant 3 : i32
      %add3A_281 = arith.addi %mul3A_279, %add3A_280 : i32
      %mul3A_282 = arith.constant 128 : i32
      %mul3A_283 = arith.muli %add3A_281, %mul3A_282 : i32
      %add3A_284 = arith.addi %mul3A_2, %mul3A_283 : i32
      %dma_start3A_285 = arith.constant 0 : i32
      %dma_start3A_286 = tpu.memref_slice %arg4[%add3A_284, %dma_start3A_285] : memref<320000x128xf32, #tpu.memory_space<hbm>> -> memref<128x128xf32, #tpu.memory_space<hbm>>
      %dma_start3A_287 = arith.constant 0 : i32
      %dma_start3A_288 = tpu.memref_slice %arg4[%add3A_284, %dma_start3A_287] : memref<320000x128xf32, #tpu.memory_space<hbm>> -> memref<128x128xf32, #tpu.memory_space<hbm>>
      tpu.enqueue_dma source(%arg10 : memref<128x128xf32, #tpu.memory_space<vmem>>) target(%dma_start3A_288 : memref<128x128xf32, #tpu.memory_space<hbm>>) target_semaphore(%arg22 : memref<!tpu.dma_semaphore, #tpu.memory_space<semaphore_mem>>)
      %dma_wait3A_289 = arith.constant 0 : i32
      %dma_wait3A_290 = arith.constant 0 : i32
      %dma_wait3A_291 = tpu.memref_slice %arg6[%dma_wait3A_289, %dma_wait3A_290] : memref<82x128xi32, #tpu.memory_space<vmem>> -> memref<1x128xi32, #tpu.memory_space<vmem>>
      %dma_wait3A_292 = tpu.memref_squeeze %dma_wait3A_291 : memref<1x128xi32, #tpu.memory_space<vmem>> -> memref<128xi32, #tpu.memory_space<vmem>>
      %dma_wait3A_293 = arith.constant 0 : i32
      %dma_wait3A_294 = arith.constant 0 : i32
      %dma_wait3A_295 = tpu.memref_slice %arg2[%dma_wait3A_293, %dma_wait3A_294] : memref<100000x128xf32, #tpu.memory_space<hbm>> -> memref<100000x128xf32, #tpu.memory_space<hbm>>
      tpu.wait_indirect_dma semaphore(%arg17 : memref<!tpu.dma_semaphore, #tpu.memory_space<semaphore_mem>>) src(%dma_wait3A_295 : memref<100000x128xf32, #tpu.memory_space<hbm>>) dst(%arg11 : memref<128x128xf32, #tpu.memory_space<vmem>>)
      %mul3A_296 = arith.constant 6 : i32
      %mul3A_297 = arith.muli %mul3A_296, %scan3A_216 : i32
      %add3A_298 = arith.constant 4 : i32
      %add3A_299 = arith.addi %mul3A_297, %add3A_298 : i32
      %mul3A_300 = arith.constant 128 : i32
      %mul3A_301 = arith.muli %add3A_299, %mul3A_300 : i32
      %add3A_302 = arith.addi %mul3A_2, %mul3A_301 : i32
      %dma_start3A_303 = arith.constant 0 : i32
      %dma_start3A_304 = tpu.memref_slice %arg4[%add3A_302, %dma_start3A_303] : memref<320000x128xf32, #tpu.memory_space<hbm>> -> memref<128x128xf32, #tpu.memory_space<hbm>>
      %dma_start3A_305 = arith.constant 0 : i32
      %dma_start3A_306 = tpu.memref_slice %arg4[%add3A_302, %dma_start3A_305] : memref<320000x128xf32, #tpu.memory_space<hbm>> -> memref<128x128xf32, #tpu.memory_space<hbm>>
      tpu.enqueue_dma source(%arg11 : memref<128x128xf32, #tpu.memory_space<vmem>>) target(%dma_start3A_306 : memref<128x128xf32, #tpu.memory_space<hbm>>) target_semaphore(%arg23 : memref<!tpu.dma_semaphore, #tpu.memory_space<semaphore_mem>>)
      %dma_wait3A_307 = arith.constant 0 : i32
      %dma_wait3A_308 = arith.constant 0 : i32
      %dma_wait3A_309 = tpu.memref_slice %arg6[%dma_wait3A_307, %dma_wait3A_308] : memref<82x128xi32, #tpu.memory_space<vmem>> -> memref<1x128xi32, #tpu.memory_space<vmem>>
      %dma_wait3A_310 = tpu.memref_squeeze %dma_wait3A_309 : memref<1x128xi32, #tpu.memory_space<vmem>> -> memref<128xi32, #tpu.memory_space<vmem>>
      %dma_wait3A_311 = arith.constant 0 : i32
      %dma_wait3A_312 = arith.constant 0 : i32
      %dma_wait3A_313 = tpu.memref_slice %arg2[%dma_wait3A_311, %dma_wait3A_312] : memref<100000x128xf32, #tpu.memory_space<hbm>> -> memref<100000x128xf32, #tpu.memory_space<hbm>>
      tpu.wait_indirect_dma semaphore(%arg18 : memref<!tpu.dma_semaphore, #tpu.memory_space<semaphore_mem>>) src(%dma_wait3A_313 : memref<100000x128xf32, #tpu.memory_space<hbm>>) dst(%arg12 : memref<128x128xf32, #tpu.memory_space<vmem>>)
      %mul3A_314 = arith.constant 6 : i32
      %mul3A_315 = arith.muli %mul3A_314, %scan3A_216 : i32
      %add3A_316 = arith.constant 5 : i32
      %add3A_317 = arith.addi %mul3A_315, %add3A_316 : i32
      %mul3A_318 = arith.constant 128 : i32
      %mul3A_319 = arith.muli %add3A_317, %mul3A_318 : i32
      %add3A_320 = arith.addi %mul3A_2, %mul3A_319 : i32
      %dma_start3A_321 = arith.constant 0 : i32
      %dma_start3A_322 = tpu.memref_slice %arg4[%add3A_320, %dma_start3A_321] : memref<320000x128xf32, #tpu.memory_space<hbm>> -> memref<128x128xf32, #tpu.memory_space<hbm>>
      %dma_start3A_323 = arith.constant 0 : i32
      %dma_start3A_324 = tpu.memref_slice %arg4[%add3A_320, %dma_start3A_323] : memref<320000x128xf32, #tpu.memory_space<hbm>> -> memref<128x128xf32, #tpu.memory_space<hbm>>
      tpu.enqueue_dma source(%arg12 : memref<128x128xf32, #tpu.memory_space<vmem>>) target(%dma_start3A_324 : memref<128x128xf32, #tpu.memory_space<hbm>>) target_semaphore(%arg24 : memref<!tpu.dma_semaphore, #tpu.memory_space<semaphore_mem>>)
      %dma_wait3A_325 = arith.constant 0 : i32
      %dma_wait3A_326 = tpu.memref_slice %arg4[%mul3A_2, %dma_wait3A_325] : memref<320000x128xf32, #tpu.memory_space<hbm>> -> memref<128x128xf32, #tpu.memory_space<hbm>>
      %dma_wait3A_327 = arith.constant 0 : i32
      %dma_wait3A_328 = tpu.memref_slice %arg4[%mul3A_2, %dma_wait3A_327] : memref<320000x128xf32, #tpu.memory_space<hbm>> -> memref<128x128xf32, #tpu.memory_space<hbm>>
      tpu.wait_dma2 semaphore(%arg19 : memref<!tpu.dma_semaphore, #tpu.memory_space<semaphore_mem>>) src(%arg7 : memref<128x128xf32, #tpu.memory_space<vmem>>) dst(%dma_wait3A_328 : memref<128x128xf32, #tpu.memory_space<hbm>>)
      %add3A_329 = arith.constant 1 : i32
      %add3A_330 = arith.addi %scan3A_216, %add3A_329 : i32
      %mul3A_331 = arith.constant 6 : i32
      %mul3A_332 = arith.muli %mul3A_331, %add3A_330 : i32
      %add3A_333 = arith.constant 0 : i32
      %add3A_334 = arith.addi %mul3A_332, %add3A_333 : i32
      %dma_start3A_335 = arith.constant 0 : i32
      %dma_start3A_336 = tpu.memref_slice %arg6[%add3A_334, %dma_start3A_335] : memref<82x128xi32, #tpu.memory_space<vmem>> -> memref<1x128xi32, #tpu.memory_space<vmem>>
      %dma_start3A_337 = tpu.memref_squeeze %dma_start3A_336 : memref<1x128xi32, #tpu.memory_space<vmem>> -> memref<128xi32, #tpu.memory_space<vmem>>
      %dma_start3A_338 = arith.constant 0 : i32
      %dma_start3A_339 = arith.constant 0 : i32
      %dma_start3A_340 = tpu.memref_slice %arg2[%dma_start3A_338, %dma_start3A_339] : memref<100000x128xf32, #tpu.memory_space<hbm>> -> memref<100000x128xf32, #tpu.memory_space<hbm>>
      tpu.enqueue_indirect_dma source(%dma_start3A_340 : memref<100000x128xf32, #tpu.memory_space<hbm>>) target(%arg7 : memref<128x128xf32, #tpu.memory_space<vmem>>) offsets(%dma_start3A_337 : memref<128xi32, #tpu.memory_space<vmem>>) semaphore(%arg13 : memref<!tpu.dma_semaphore, #tpu.memory_space<semaphore_mem>>)
      %dma_wait3A_341 = arith.constant 0 : i32
      %dma_wait3A_342 = tpu.memref_slice %arg4[%mul3A_2, %dma_wait3A_341] : memref<320000x128xf32, #tpu.memory_space<hbm>> -> memref<128x128xf32, #tpu.memory_space<hbm>>
      %dma_wait3A_343 = arith.constant 0 : i32
      %dma_wait3A_344 = tpu.memref_slice %arg4[%mul3A_2, %dma_wait3A_343] : memref<320000x128xf32, #tpu.memory_space<hbm>> -> memref<128x128xf32, #tpu.memory_space<hbm>>
      tpu.wait_dma2 semaphore(%arg20 : memref<!tpu.dma_semaphore, #tpu.memory_space<semaphore_mem>>) src(%arg8 : memref<128x128xf32, #tpu.memory_space<vmem>>) dst(%dma_wait3A_344 : memref<128x128xf32, #tpu.memory_space<hbm>>)
      %add3A_345 = arith.constant 1 : i32
      %add3A_346 = arith.addi %scan3A_216, %add3A_345 : i32
      %mul3A_347 = arith.constant 6 : i32
      %mul3A_348 = arith.muli %mul3A_347, %add3A_346 : i32
      %add3A_349 = arith.constant 1 : i32
      %add3A_350 = arith.addi %mul3A_348, %add3A_349 : i32
      %dma_start3A_351 = arith.constant 0 : i32
      %dma_start3A_352 = tpu.memref_slice %arg6[%add3A_350, %dma_start3A_351] : memref<82x128xi32, #tpu.memory_space<vmem>> -> memref<1x128xi32, #tpu.memory_space<vmem>>
      %dma_start3A_353 = tpu.memref_squeeze %dma_start3A_352 : memref<1x128xi32, #tpu.memory_space<vmem>> -> memref<128xi32, #tpu.memory_space<vmem>>
      %dma_start3A_354 = arith.constant 0 : i32
      %dma_start3A_355 = arith.constant 0 : i32
      %dma_start3A_356 = tpu.memref_slice %arg2[%dma_start3A_354, %dma_start3A_355] : memref<100000x128xf32, #tpu.memory_space<hbm>> -> memref<100000x128xf32, #tpu.memory_space<hbm>>
      tpu.enqueue_indirect_dma source(%dma_start3A_356 : memref<100000x128xf32, #tpu.memory_space<hbm>>) target(%arg8 : memref<128x128xf32, #tpu.memory_space<vmem>>) offsets(%dma_start3A_353 : memref<128xi32, #tpu.memory_space<vmem>>) semaphore(%arg14 : memref<!tpu.dma_semaphore, #tpu.memory_space<semaphore_mem>>)
      %dma_wait3A_357 = arith.constant 0 : i32
      %dma_wait3A_358 = tpu.memref_slice %arg4[%mul3A_2, %dma_wait3A_357] : memref<320000x128xf32, #tpu.memory_space<hbm>> -> memref<128x128xf32, #tpu.memory_space<hbm>>
      %dma_wait3A_359 = arith.constant 0 : i32
      %dma_wait3A_360 = tpu.memref_slice %arg4[%mul3A_2, %dma_wait3A_359] : memref<320000x128xf32, #tpu.memory_space<hbm>> -> memref<128x128xf32, #tpu.memory_space<hbm>>
      tpu.wait_dma2 semaphore(%arg21 : memref<!tpu.dma_semaphore, #tpu.memory_space<semaphore_mem>>) src(%arg9 : memref<128x128xf32, #tpu.memory_space<vmem>>) dst(%dma_wait3A_360 : memref<128x128xf32, #tpu.memory_space<hbm>>)
      %add3A_361 = arith.constant 1 : i32
      %add3A_362 = arith.addi %scan3A_216, %add3A_361 : i32
      %mul3A_363 = arith.constant 6 : i32
      %mul3A_364 = arith.muli %mul3A_363, %add3A_362 : i32
      %add3A_365 = arith.constant 2 : i32
      %add3A_366 = arith.addi %mul3A_364, %add3A_365 : i32
      %dma_start3A_367 = arith.constant 0 : i32
      %dma_start3A_368 = tpu.memref_slice %arg6[%add3A_366, %dma_start3A_367] : memref<82x128xi32, #tpu.memory_space<vmem>> -> memref<1x128xi32, #tpu.memory_space<vmem>>
      %dma_start3A_369 = tpu.memref_squeeze %dma_start3A_368 : memref<1x128xi32, #tpu.memory_space<vmem>> -> memref<128xi32, #tpu.memory_space<vmem>>
      %dma_start3A_370 = arith.constant 0 : i32
      %dma_start3A_371 = arith.constant 0 : i32
      %dma_start3A_372 = tpu.memref_slice %arg2[%dma_start3A_370, %dma_start3A_371] : memref<100000x128xf32, #tpu.memory_space<hbm>> -> memref<100000x128xf32, #tpu.memory_space<hbm>>
      tpu.enqueue_indirect_dma source(%dma_start3A_372 : memref<100000x128xf32, #tpu.memory_space<hbm>>) target(%arg9 : memref<128x128xf32, #tpu.memory_space<vmem>>) offsets(%dma_start3A_369 : memref<128xi32, #tpu.memory_space<vmem>>) semaphore(%arg15 : memref<!tpu.dma_semaphore, #tpu.memory_space<semaphore_mem>>)
      %dma_wait3A_373 = arith.constant 0 : i32
      %dma_wait3A_374 = tpu.memref_slice %arg4[%mul3A_2, %dma_wait3A_373] : memref<320000x128xf32, #tpu.memory_space<hbm>> -> memref<128x128xf32, #tpu.memory_space<hbm>>
      %dma_wait3A_375 = arith.constant 0 : i32
      %dma_wait3A_376 = tpu.memref_slice %arg4[%mul3A_2, %dma_wait3A_375] : memref<320000x128xf32, #tpu.memory_space<hbm>> -> memref<128x128xf32, #tpu.memory_space<hbm>>
      tpu.wait_dma2 semaphore(%arg22 : memref<!tpu.dma_semaphore, #tpu.memory_space<semaphore_mem>>) src(%arg10 : memref<128x128xf32, #tpu.memory_space<vmem>>) dst(%dma_wait3A_376 : memref<128x128xf32, #tpu.memory_space<hbm>>)
      %add3A_377 = arith.constant 1 : i32
      %add3A_378 = arith.addi %scan3A_216, %add3A_377 : i32
      %mul3A_379 = arith.constant 6 : i32
      %mul3A_380 = arith.muli %mul3A_379, %add3A_378 : i32
      %add3A_381 = arith.constant 3 : i32
      %add3A_382 = arith.addi %mul3A_380, %add3A_381 : i32
      %dma_start3A_383 = arith.constant 0 : i32
      %dma_start3A_384 = tpu.memref_slice %arg6[%add3A_382, %dma_start3A_383] : memref<82x128xi32, #tpu.memory_space<vmem>> -> memref<1x128xi32, #tpu.memory_space<vmem>>
      %dma_start3A_385 = tpu.memref_squeeze %dma_start3A_384 : memref<1x128xi32, #tpu.memory_space<vmem>> -> memref<128xi32, #tpu.memory_space<vmem>>
      %dma_start3A_386 = arith.constant 0 : i32
      %dma_start3A_387 = arith.constant 0 : i32
      %dma_start3A_388 = tpu.memref_slice %arg2[%dma_start3A_386, %dma_start3A_387] : memref<100000x128xf32, #tpu.memory_space<hbm>> -> memref<100000x128xf32, #tpu.memory_space<hbm>>
      tpu.enqueue_indirect_dma source(%dma_start3A_388 : memref<100000x128xf32, #tpu.memory_space<hbm>>) target(%arg10 : memref<128x128xf32, #tpu.memory_space<vmem>>) offsets(%dma_start3A_385 : memref<128xi32, #tpu.memory_space<vmem>>) semaphore(%arg16 : memref<!tpu.dma_semaphore, #tpu.memory_space<semaphore_mem>>)
      %dma_wait3A_389 = arith.constant 0 : i32
      %dma_wait3A_390 = tpu.memref_slice %arg4[%mul3A_2, %dma_wait3A_389] : memref<320000x128xf32, #tpu.memory_space<hbm>> -> memref<128x128xf32, #tpu.memory_space<hbm>>
      %dma_wait3A_391 = arith.constant 0 : i32
      %dma_wait3A_392 = tpu.memref_slice %arg4[%mul3A_2, %dma_wait3A_391] : memref<320000x128xf32, #tpu.memory_space<hbm>> -> memref<128x128xf32, #tpu.memory_space<hbm>>
      tpu.wait_dma2 semaphore(%arg23 : memref<!tpu.dma_semaphore, #tpu.memory_space<semaphore_mem>>) src(%arg11 : memref<128x128xf32, #tpu.memory_space<vmem>>) dst(%dma_wait3A_392 : memref<128x128xf32, #tpu.memory_space<hbm>>)
      %add3A_393 = arith.constant 1 : i32
      %add3A_394 = arith.addi %scan3A_216, %add3A_393 : i32
      %mul3A_395 = arith.constant 6 : i32
      %mul3A_396 = arith.muli %mul3A_395, %add3A_394 : i32
      %add3A_397 = arith.constant 4 : i32
      %add3A_398 = arith.addi %mul3A_396, %add3A_397 : i32
      %dma_start3A_399 = arith.constant 0 : i32
      %dma_start3A_400 = tpu.memref_slice %arg6[%add3A_398, %dma_start3A_399] : memref<82x128xi32, #tpu.memory_space<vmem>> -> memref<1x128xi32, #tpu.memory_space<vmem>>
      %dma_start3A_401 = tpu.memref_squeeze %dma_start3A_400 : memref<1x128xi32, #tpu.memory_space<vmem>> -> memref<128xi32, #tpu.memory_space<vmem>>
      %dma_start3A_402 = arith.constant 0 : i32
      %dma_start3A_403 = arith.constant 0 : i32
      %dma_start3A_404 = tpu.memref_slice %arg2[%dma_start3A_402, %dma_start3A_403] : memref<100000x128xf32, #tpu.memory_space<hbm>> -> memref<100000x128xf32, #tpu.memory_space<hbm>>
      tpu.enqueue_indirect_dma source(%dma_start3A_404 : memref<100000x128xf32, #tpu.memory_space<hbm>>) target(%arg11 : memref<128x128xf32, #tpu.memory_space<vmem>>) offsets(%dma_start3A_401 : memref<128xi32, #tpu.memory_space<vmem>>) semaphore(%arg17 : memref<!tpu.dma_semaphore, #tpu.memory_space<semaphore_mem>>)
      %dma_wait3A_405 = arith.constant 0 : i32
      %dma_wait3A_406 = tpu.memref_slice %arg4[%mul3A_2, %dma_wait3A_405] : memref<320000x128xf32, #tpu.memory_space<hbm>> -> memref<128x128xf32, #tpu.memory_space<hbm>>
      %dma_wait3A_407 = arith.constant 0 : i32
      %dma_wait3A_408 = tpu.memref_slice %arg4[%mul3A_2, %dma_wait3A_407] : memref<320000x128xf32, #tpu.memory_space<hbm>> -> memref<128x128xf32, #tpu.memory_space<hbm>>
      tpu.wait_dma2 semaphore(%arg24 : memref<!tpu.dma_semaphore, #tpu.memory_space<semaphore_mem>>) src(%arg12 : memref<128x128xf32, #tpu.memory_space<vmem>>) dst(%dma_wait3A_408 : memref<128x128xf32, #tpu.memory_space<hbm>>)
      %add3A_409 = arith.constant 1 : i32
      %add3A_410 = arith.addi %scan3A_216, %add3A_409 : i32
      %mul3A_411 = arith.constant 6 : i32
      %mul3A_412 = arith.muli %mul3A_411, %add3A_410 : i32
      %add3A_413 = arith.constant 5 : i32
      %add3A_414 = arith.addi %mul3A_412, %add3A_413 : i32
      %dma_start3A_415 = arith.constant 0 : i32
      %dma_start3A_416 = tpu.memref_slice %arg6[%add3A_414, %dma_start3A_415] : memref<82x128xi32, #tpu.memory_space<vmem>> -> memref<1x128xi32, #tpu.memory_space<vmem>>
      %dma_start3A_417 = tpu.memref_squeeze %dma_start3A_416 : memref<1x128xi32, #tpu.memory_space<vmem>> -> memref<128xi32, #tpu.memory_space<vmem>>
      %dma_start3A_418 = arith.constant 0 : i32
      %dma_start3A_419 = arith.constant 0 : i32
      %dma_start3A_420 = tpu.memref_slice %arg2[%dma_start3A_418, %dma_start3A_419] : memref<100000x128xf32, #tpu.memory_space<hbm>> -> memref<100000x128xf32, #tpu.memory_space<hbm>>
      tpu.enqueue_indirect_dma source(%dma_start3A_420 : memref<100000x128xf32, #tpu.memory_space<hbm>>) target(%arg12 : memref<128x128xf32, #tpu.memory_space<vmem>>) offsets(%dma_start3A_417 : memref<128xi32, #tpu.memory_space<vmem>>) semaphore(%arg18 : memref<!tpu.dma_semaphore, #tpu.memory_space<semaphore_mem>>)
    }
    %scan3A_50 = arith.constant 12 : i32
    %dma_wait3A = arith.constant 0 : i32
    %dma_wait3A_51 = arith.constant 0 : i32
    %dma_wait3A_52 = tpu.memref_slice %arg6[%dma_wait3A, %dma_wait3A_51] : memref<82x128xi32, #tpu.memory_space<vmem>> -> memref<1x128xi32, #tpu.memory_space<vmem>>
    %dma_wait3A_53 = tpu.memref_squeeze %dma_wait3A_52 : memref<1x128xi32, #tpu.memory_space<vmem>> -> memref<128xi32, #tpu.memory_space<vmem>>
    %dma_wait3A_54 = arith.constant 0 : i32
    %dma_wait3A_55 = arith.constant 0 : i32
    %dma_wait3A_56 = tpu.memref_slice %arg2[%dma_wait3A_54, %dma_wait3A_55] : memref<100000x128xf32, #tpu.memory_space<hbm>> -> memref<100000x128xf32, #tpu.memory_space<hbm>>
    tpu.wait_indirect_dma semaphore(%arg13 : memref<!tpu.dma_semaphore, #tpu.memory_space<semaphore_mem>>) src(%dma_wait3A_56 : memref<100000x128xf32, #tpu.memory_space<hbm>>) dst(%arg7 : memref<128x128xf32, #tpu.memory_space<vmem>>)
    %add3A_57 = arith.constant 9216 : i32
    %add3A_58 = arith.addi %mul3A_2, %add3A_57 : i32
    %dma_start3A_59 = arith.constant 0 : i32
    %dma_start3A_60 = tpu.memref_slice %arg4[%add3A_58, %dma_start3A_59] : memref<320000x128xf32, #tpu.memory_space<hbm>> -> memref<128x128xf32, #tpu.memory_space<hbm>>
    %dma_start3A_61 = arith.constant 0 : i32
    %dma_start3A_62 = tpu.memref_slice %arg4[%add3A_58, %dma_start3A_61] : memref<320000x128xf32, #tpu.memory_space<hbm>> -> memref<128x128xf32, #tpu.memory_space<hbm>>
    tpu.enqueue_dma source(%arg7 : memref<128x128xf32, #tpu.memory_space<vmem>>) target(%dma_start3A_62 : memref<128x128xf32, #tpu.memory_space<hbm>>) target_semaphore(%arg19 : memref<!tpu.dma_semaphore, #tpu.memory_space<semaphore_mem>>)
    %dma_wait3A_63 = arith.constant 0 : i32
    %dma_wait3A_64 = arith.constant 0 : i32
    %dma_wait3A_65 = tpu.memref_slice %arg6[%dma_wait3A_63, %dma_wait3A_64] : memref<82x128xi32, #tpu.memory_space<vmem>> -> memref<1x128xi32, #tpu.memory_space<vmem>>
    %dma_wait3A_66 = tpu.memref_squeeze %dma_wait3A_65 : memref<1x128xi32, #tpu.memory_space<vmem>> -> memref<128xi32, #tpu.memory_space<vmem>>
    %dma_wait3A_67 = arith.constant 0 : i32
    %dma_wait3A_68 = arith.constant 0 : i32
    %dma_wait3A_69 = tpu.memref_slice %arg2[%dma_wait3A_67, %dma_wait3A_68] : memref<100000x128xf32, #tpu.memory_space<hbm>> -> memref<100000x128xf32, #tpu.memory_space<hbm>>
    tpu.wait_indirect_dma semaphore(%arg14 : memref<!tpu.dma_semaphore, #tpu.memory_space<semaphore_mem>>) src(%dma_wait3A_69 : memref<100000x128xf32, #tpu.memory_space<hbm>>) dst(%arg8 : memref<128x128xf32, #tpu.memory_space<vmem>>)
    %add3A_70 = arith.constant 9344 : i32
    %add3A_71 = arith.addi %mul3A_2, %add3A_70 : i32
    %dma_start3A_72 = arith.constant 0 : i32
    %dma_start3A_73 = tpu.memref_slice %arg4[%add3A_71, %dma_start3A_72] : memref<320000x128xf32, #tpu.memory_space<hbm>> -> memref<128x128xf32, #tpu.memory_space<hbm>>
    %dma_start3A_74 = arith.constant 0 : i32
    %dma_start3A_75 = tpu.memref_slice %arg4[%add3A_71, %dma_start3A_74] : memref<320000x128xf32, #tpu.memory_space<hbm>> -> memref<128x128xf32, #tpu.memory_space<hbm>>
    tpu.enqueue_dma source(%arg8 : memref<128x128xf32, #tpu.memory_space<vmem>>) target(%dma_start3A_75 : memref<128x128xf32, #tpu.memory_space<hbm>>) target_semaphore(%arg20 : memref<!tpu.dma_semaphore, #tpu.memory_space<semaphore_mem>>)
    %dma_wait3A_76 = arith.constant 0 : i32
    %dma_wait3A_77 = arith.constant 0 : i32
    %dma_wait3A_78 = tpu.memref_slice %arg6[%dma_wait3A_76, %dma_wait3A_77] : memref<82x128xi32, #tpu.memory_space<vmem>> -> memref<1x128xi32, #tpu.memory_space<vmem>>
    %dma_wait3A_79 = tpu.memref_squeeze %dma_wait3A_78 : memref<1x128xi32, #tpu.memory_space<vmem>> -> memref<128xi32, #tpu.memory_space<vmem>>
    %dma_wait3A_80 = arith.constant 0 : i32
    %dma_wait3A_81 = arith.constant 0 : i32
    %dma_wait3A_82 = tpu.memref_slice %arg2[%dma_wait3A_80, %dma_wait3A_81] : memref<100000x128xf32, #tpu.memory_space<hbm>> -> memref<100000x128xf32, #tpu.memory_space<hbm>>
    tpu.wait_indirect_dma semaphore(%arg15 : memref<!tpu.dma_semaphore, #tpu.memory_space<semaphore_mem>>) src(%dma_wait3A_82 : memref<100000x128xf32, #tpu.memory_space<hbm>>) dst(%arg9 : memref<128x128xf32, #tpu.memory_space<vmem>>)
    %add3A_83 = arith.constant 9472 : i32
    %add3A_84 = arith.addi %mul3A_2, %add3A_83 : i32
    %dma_start3A_85 = arith.constant 0 : i32
    %dma_start3A_86 = tpu.memref_slice %arg4[%add3A_84, %dma_start3A_85] : memref<320000x128xf32, #tpu.memory_space<hbm>> -> memref<128x128xf32, #tpu.memory_space<hbm>>
    %dma_start3A_87 = arith.constant 0 : i32
    %dma_start3A_88 = tpu.memref_slice %arg4[%add3A_84, %dma_start3A_87] : memref<320000x128xf32, #tpu.memory_space<hbm>> -> memref<128x128xf32, #tpu.memory_space<hbm>>
    tpu.enqueue_dma source(%arg9 : memref<128x128xf32, #tpu.memory_space<vmem>>) target(%dma_start3A_88 : memref<128x128xf32, #tpu.memory_space<hbm>>) target_semaphore(%arg21 : memref<!tpu.dma_semaphore, #tpu.memory_space<semaphore_mem>>)
    %dma_wait3A_89 = arith.constant 0 : i32
    %dma_wait3A_90 = arith.constant 0 : i32
    %dma_wait3A_91 = tpu.memref_slice %arg6[%dma_wait3A_89, %dma_wait3A_90] : memref<82x128xi32, #tpu.memory_space<vmem>> -> memref<1x128xi32, #tpu.memory_space<vmem>>
    %dma_wait3A_92 = tpu.memref_squeeze %dma_wait3A_91 : memref<1x128xi32, #tpu.memory_space<vmem>> -> memref<128xi32, #tpu.memory_space<vmem>>
    %dma_wait3A_93 = arith.constant 0 : i32
    %dma_wait3A_94 = arith.constant 0 : i32
    %dma_wait3A_95 = tpu.memref_slice %arg2[%dma_wait3A_93, %dma_wait3A_94] : memref<100000x128xf32, #tpu.memory_space<hbm>> -> memref<100000x128xf32, #tpu.memory_space<hbm>>
    tpu.wait_indirect_dma semaphore(%arg16 : memref<!tpu.dma_semaphore, #tpu.memory_space<semaphore_mem>>) src(%dma_wait3A_95 : memref<100000x128xf32, #tpu.memory_space<hbm>>) dst(%arg10 : memref<128x128xf32, #tpu.memory_space<vmem>>)
    %add3A_96 = arith.constant 9600 : i32
    %add3A_97 = arith.addi %mul3A_2, %add3A_96 : i32
    %dma_start3A_98 = arith.constant 0 : i32
    %dma_start3A_99 = tpu.memref_slice %arg4[%add3A_97, %dma_start3A_98] : memref<320000x128xf32, #tpu.memory_space<hbm>> -> memref<128x128xf32, #tpu.memory_space<hbm>>
    %dma_start3A_100 = arith.constant 0 : i32
    %dma_start3A_101 = tpu.memref_slice %arg4[%add3A_97, %dma_start3A_100] : memref<320000x128xf32, #tpu.memory_space<hbm>> -> memref<128x128xf32, #tpu.memory_space<hbm>>
    tpu.enqueue_dma source(%arg10 : memref<128x128xf32, #tpu.memory_space<vmem>>) target(%dma_start3A_101 : memref<128x128xf32, #tpu.memory_space<hbm>>) target_semaphore(%arg22 : memref<!tpu.dma_semaphore, #tpu.memory_space<semaphore_mem>>)
    %dma_wait3A_102 = arith.constant 0 : i32
    %dma_wait3A_103 = arith.constant 0 : i32
    %dma_wait3A_104 = tpu.memref_slice %arg6[%dma_wait3A_102, %dma_wait3A_103] : memref<82x128xi32, #tpu.memory_space<vmem>> -> memref<1x128xi32, #tpu.memory_space<vmem>>
    %dma_wait3A_105 = tpu.memref_squeeze %dma_wait3A_104 : memref<1x128xi32, #tpu.memory_space<vmem>> -> memref<128xi32, #tpu.memory_space<vmem>>
    %dma_wait3A_106 = arith.constant 0 : i32
    %dma_wait3A_107 = arith.constant 0 : i32
    %dma_wait3A_108 = tpu.memref_slice %arg2[%dma_wait3A_106, %dma_wait3A_107] : memref<100000x128xf32, #tpu.memory_space<hbm>> -> memref<100000x128xf32, #tpu.memory_space<hbm>>
    tpu.wait_indirect_dma semaphore(%arg17 : memref<!tpu.dma_semaphore, #tpu.memory_space<semaphore_mem>>) src(%dma_wait3A_108 : memref<100000x128xf32, #tpu.memory_space<hbm>>) dst(%arg11 : memref<128x128xf32, #tpu.memory_space<vmem>>)
    %add3A_109 = arith.constant 9728 : i32
    %add3A_110 = arith.addi %mul3A_2, %add3A_109 : i32
    %dma_start3A_111 = arith.constant 0 : i32
    %dma_start3A_112 = tpu.memref_slice %arg4[%add3A_110, %dma_start3A_111] : memref<320000x128xf32, #tpu.memory_space<hbm>> -> memref<128x128xf32, #tpu.memory_space<hbm>>
    %dma_start3A_113 = arith.constant 0 : i32
    %dma_start3A_114 = tpu.memref_slice %arg4[%add3A_110, %dma_start3A_113] : memref<320000x128xf32, #tpu.memory_space<hbm>> -> memref<128x128xf32, #tpu.memory_space<hbm>>
    tpu.enqueue_dma source(%arg11 : memref<128x128xf32, #tpu.memory_space<vmem>>) target(%dma_start3A_114 : memref<128x128xf32, #tpu.memory_space<hbm>>) target_semaphore(%arg23 : memref<!tpu.dma_semaphore, #tpu.memory_space<semaphore_mem>>)
    %dma_wait3A_115 = arith.constant 0 : i32
    %dma_wait3A_116 = arith.constant 0 : i32
    %dma_wait3A_117 = tpu.memref_slice %arg6[%dma_wait3A_115, %dma_wait3A_116] : memref<82x128xi32, #tpu.memory_space<vmem>> -> memref<1x128xi32, #tpu.memory_space<vmem>>
    %dma_wait3A_118 = tpu.memref_squeeze %dma_wait3A_117 : memref<1x128xi32, #tpu.memory_space<vmem>> -> memref<128xi32, #tpu.memory_space<vmem>>
    %dma_wait3A_119 = arith.constant 0 : i32
    %dma_wait3A_120 = arith.constant 0 : i32
    %dma_wait3A_121 = tpu.memref_slice %arg2[%dma_wait3A_119, %dma_wait3A_120] : memref<100000x128xf32, #tpu.memory_space<hbm>> -> memref<100000x128xf32, #tpu.memory_space<hbm>>
    tpu.wait_indirect_dma semaphore(%arg18 : memref<!tpu.dma_semaphore, #tpu.memory_space<semaphore_mem>>) src(%dma_wait3A_121 : memref<100000x128xf32, #tpu.memory_space<hbm>>) dst(%arg12 : memref<128x128xf32, #tpu.memory_space<vmem>>)
    %add3A_122 = arith.constant 9856 : i32
    %add3A_123 = arith.addi %mul3A_2, %add3A_122 : i32
    %dma_start3A_124 = arith.constant 0 : i32
    %dma_start3A_125 = tpu.memref_slice %arg4[%add3A_123, %dma_start3A_124] : memref<320000x128xf32, #tpu.memory_space<hbm>> -> memref<128x128xf32, #tpu.memory_space<hbm>>
    %dma_start3A_126 = arith.constant 0 : i32
    %dma_start3A_127 = tpu.memref_slice %arg4[%add3A_123, %dma_start3A_126] : memref<320000x128xf32, #tpu.memory_space<hbm>> -> memref<128x128xf32, #tpu.memory_space<hbm>>
    tpu.enqueue_dma source(%arg12 : memref<128x128xf32, #tpu.memory_space<vmem>>) target(%dma_start3A_127 : memref<128x128xf32, #tpu.memory_space<hbm>>) target_semaphore(%arg24 : memref<!tpu.dma_semaphore, #tpu.memory_space<semaphore_mem>>)
    %dma_wait3A_128 = arith.constant 0 : i32
    %dma_wait3A_129 = tpu.memref_slice %arg4[%mul3A_2, %dma_wait3A_128] : memref<320000x128xf32, #tpu.memory_space<hbm>> -> memref<128x128xf32, #tpu.memory_space<hbm>>
    %dma_wait3A_130 = arith.constant 0 : i32
    %dma_wait3A_131 = tpu.memref_slice %arg4[%mul3A_2, %dma_wait3A_130] : memref<320000x128xf32, #tpu.memory_space<hbm>> -> memref<128x128xf32, #tpu.memory_space<hbm>>
    tpu.wait_dma2 semaphore(%arg19 : memref<!tpu.dma_semaphore, #tpu.memory_space<semaphore_mem>>) src(%arg7 : memref<128x128xf32, #tpu.memory_space<vmem>>) dst(%dma_wait3A_131 : memref<128x128xf32, #tpu.memory_space<hbm>>)
    %dma_start3A_132 = arith.constant 78 : i32
    %dma_start3A_133 = arith.constant 0 : i32
    %dma_start3A_134 = tpu.memref_slice %arg6[%dma_start3A_132, %dma_start3A_133] : memref<82x128xi32, #tpu.memory_space<vmem>> -> memref<1x128xi32, #tpu.memory_space<vmem>>
    %dma_start3A_135 = tpu.memref_squeeze %dma_start3A_134 : memref<1x128xi32, #tpu.memory_space<vmem>> -> memref<128xi32, #tpu.memory_space<vmem>>
    %dma_start3A_136 = arith.constant 0 : i32
    %dma_start3A_137 = arith.constant 0 : i32
    %dma_start3A_138 = tpu.memref_slice %arg2[%dma_start3A_136, %dma_start3A_137] : memref<100000x128xf32, #tpu.memory_space<hbm>> -> memref<100000x128xf32, #tpu.memory_space<hbm>>
    tpu.enqueue_indirect_dma source(%dma_start3A_138 : memref<100000x128xf32, #tpu.memory_space<hbm>>) target(%arg7 : memref<128x128xf32, #tpu.memory_space<vmem>>) offsets(%dma_start3A_135 : memref<128xi32, #tpu.memory_space<vmem>>) semaphore(%arg13 : memref<!tpu.dma_semaphore, #tpu.memory_space<semaphore_mem>>)
    %dma_wait3A_139 = arith.constant 0 : i32
    %dma_wait3A_140 = tpu.memref_slice %arg4[%mul3A_2, %dma_wait3A_139] : memref<320000x128xf32, #tpu.memory_space<hbm>> -> memref<128x128xf32, #tpu.memory_space<hbm>>
    %dma_wait3A_141 = arith.constant 0 : i32
    %dma_wait3A_142 = tpu.memref_slice %arg4[%mul3A_2, %dma_wait3A_141] : memref<320000x128xf32, #tpu.memory_space<hbm>> -> memref<128x128xf32, #tpu.memory_space<hbm>>
    tpu.wait_dma2 semaphore(%arg20 : memref<!tpu.dma_semaphore, #tpu.memory_space<semaphore_mem>>) src(%arg8 : memref<128x128xf32, #tpu.memory_space<vmem>>) dst(%dma_wait3A_142 : memref<128x128xf32, #tpu.memory_space<hbm>>)
    %dma_start3A_143 = arith.constant 79 : i32
    %dma_start3A_144 = arith.constant 0 : i32
    %dma_start3A_145 = tpu.memref_slice %arg6[%dma_start3A_143, %dma_start3A_144] : memref<82x128xi32, #tpu.memory_space<vmem>> -> memref<1x128xi32, #tpu.memory_space<vmem>>
    %dma_start3A_146 = tpu.memref_squeeze %dma_start3A_145 : memref<1x128xi32, #tpu.memory_space<vmem>> -> memref<128xi32, #tpu.memory_space<vmem>>
    %dma_start3A_147 = arith.constant 0 : i32
    %dma_start3A_148 = arith.constant 0 : i32
    %dma_start3A_149 = tpu.memref_slice %arg2[%dma_start3A_147, %dma_start3A_148] : memref<100000x128xf32, #tpu.memory_space<hbm>> -> memref<100000x128xf32, #tpu.memory_space<hbm>>
    tpu.enqueue_indirect_dma source(%dma_start3A_149 : memref<100000x128xf32, #tpu.memory_space<hbm>>) target(%arg8 : memref<128x128xf32, #tpu.memory_space<vmem>>) offsets(%dma_start3A_146 : memref<128xi32, #tpu.memory_space<vmem>>) semaphore(%arg14 : memref<!tpu.dma_semaphore, #tpu.memory_space<semaphore_mem>>)
    %dma_wait3A_150 = arith.constant 0 : i32
    %dma_wait3A_151 = tpu.memref_slice %arg4[%mul3A_2, %dma_wait3A_150] : memref<320000x128xf32, #tpu.memory_space<hbm>> -> memref<128x128xf32, #tpu.memory_space<hbm>>
    %dma_wait3A_152 = arith.constant 0 : i32
    %dma_wait3A_153 = tpu.memref_slice %arg4[%mul3A_2, %dma_wait3A_152] : memref<320000x128xf32, #tpu.memory_space<hbm>> -> memref<128x128xf32, #tpu.memory_space<hbm>>
    tpu.wait_dma2 semaphore(%arg21 : memref<!tpu.dma_semaphore, #tpu.memory_space<semaphore_mem>>) src(%arg9 : memref<128x128xf32, #tpu.memory_space<vmem>>) dst(%dma_wait3A_153 : memref<128x128xf32, #tpu.memory_space<hbm>>)
    %dma_start3A_154 = arith.constant 80 : i32
    %dma_start3A_155 = arith.constant 0 : i32
    %dma_start3A_156 = tpu.memref_slice %arg6[%dma_start3A_154, %dma_start3A_155] : memref<82x128xi32, #tpu.memory_space<vmem>> -> memref<1x128xi32, #tpu.memory_space<vmem>>
    %dma_start3A_157 = tpu.memref_squeeze %dma_start3A_156 : memref<1x128xi32, #tpu.memory_space<vmem>> -> memref<128xi32, #tpu.memory_space<vmem>>
    %dma_start3A_158 = arith.constant 0 : i32
    %dma_start3A_159 = arith.constant 0 : i32
    %dma_start3A_160 = tpu.memref_slice %arg2[%dma_start3A_158, %dma_start3A_159] : memref<100000x128xf32, #tpu.memory_space<hbm>> -> memref<100000x128xf32, #tpu.memory_space<hbm>>
    tpu.enqueue_indirect_dma source(%dma_start3A_160 : memref<100000x128xf32, #tpu.memory_space<hbm>>) target(%arg9 : memref<128x128xf32, #tpu.memory_space<vmem>>) offsets(%dma_start3A_157 : memref<128xi32, #tpu.memory_space<vmem>>) semaphore(%arg15 : memref<!tpu.dma_semaphore, #tpu.memory_space<semaphore_mem>>)
    %dma_wait3A_161 = arith.constant 0 : i32
    %dma_wait3A_162 = tpu.memref_slice %arg4[%mul3A_2, %dma_wait3A_161] : memref<320000x128xf32, #tpu.memory_space<hbm>> -> memref<128x128xf32, #tpu.memory_space<hbm>>
    %dma_wait3A_163 = arith.constant 0 : i32
    %dma_wait3A_164 = tpu.memref_slice %arg4[%mul3A_2, %dma_wait3A_163] : memref<320000x128xf32, #tpu.memory_space<hbm>> -> memref<128x128xf32, #tpu.memory_space<hbm>>
    tpu.wait_dma2 semaphore(%arg22 : memref<!tpu.dma_semaphore, #tpu.memory_space<semaphore_mem>>) src(%arg10 : memref<128x128xf32, #tpu.memory_space<vmem>>) dst(%dma_wait3A_164 : memref<128x128xf32, #tpu.memory_space<hbm>>)
    %dma_start3A_165 = arith.constant 81 : i32
    %dma_start3A_166 = arith.constant 0 : i32
    %dma_start3A_167 = tpu.memref_slice %arg6[%dma_start3A_165, %dma_start3A_166] : memref<82x128xi32, #tpu.memory_space<vmem>> -> memref<1x128xi32, #tpu.memory_space<vmem>>
    %dma_start3A_168 = tpu.memref_squeeze %dma_start3A_167 : memref<1x128xi32, #tpu.memory_space<vmem>> -> memref<128xi32, #tpu.memory_space<vmem>>
    %dma_start3A_169 = arith.constant 0 : i32
    %dma_start3A_170 = arith.constant 0 : i32
    %dma_start3A_171 = tpu.memref_slice %arg2[%dma_start3A_169, %dma_start3A_170] : memref<100000x128xf32, #tpu.memory_space<hbm>> -> memref<100000x128xf32, #tpu.memory_space<hbm>>
    tpu.enqueue_indirect_dma source(%dma_start3A_171 : memref<100000x128xf32, #tpu.memory_space<hbm>>) target(%arg10 : memref<128x128xf32, #tpu.memory_space<vmem>>) offsets(%dma_start3A_168 : memref<128xi32, #tpu.memory_space<vmem>>) semaphore(%arg16 : memref<!tpu.dma_semaphore, #tpu.memory_space<semaphore_mem>>)
    %dma_wait3A_172 = arith.constant 0 : i32
    %dma_wait3A_173 = tpu.memref_slice %arg4[%mul3A_2, %dma_wait3A_172] : memref<320000x128xf32, #tpu.memory_space<hbm>> -> memref<128x128xf32, #tpu.memory_space<hbm>>
    %dma_wait3A_174 = arith.constant 0 : i32
    %dma_wait3A_175 = tpu.memref_slice %arg4[%mul3A_2, %dma_wait3A_174] : memref<320000x128xf32, #tpu.memory_space<hbm>> -> memref<128x128xf32, #tpu.memory_space<hbm>>
    tpu.wait_dma2 semaphore(%arg23 : memref<!tpu.dma_semaphore, #tpu.memory_space<semaphore_mem>>) src(%arg11 : memref<128x128xf32, #tpu.memory_space<vmem>>) dst(%dma_wait3A_175 : memref<128x128xf32, #tpu.memory_space<hbm>>)
    %dma_wait3A_176 = arith.constant 0 : i32
    %dma_wait3A_177 = tpu.memref_slice %arg4[%mul3A_2, %dma_wait3A_176] : memref<320000x128xf32, #tpu.memory_space<hbm>> -> memref<128x128xf32, #tpu.memory_space<hbm>>
    %dma_wait3A_178 = arith.constant 0 : i32
    %dma_wait3A_179 = tpu.memref_slice %arg4[%mul3A_2, %dma_wait3A_178] : memref<320000x128xf32, #tpu.memory_space<hbm>> -> memref<128x128xf32, #tpu.memory_space<hbm>>
    tpu.wait_dma2 semaphore(%arg24 : memref<!tpu.dma_semaphore, #tpu.memory_space<semaphore_mem>>) src(%arg12 : memref<128x128xf32, #tpu.memory_space<vmem>>) dst(%dma_wait3A_179 : memref<128x128xf32, #tpu.memory_space<hbm>>)
    %dma_wait3A_180 = arith.constant 0 : i32
    %dma_wait3A_181 = arith.constant 0 : i32
    %dma_wait3A_182 = tpu.memref_slice %arg6[%dma_wait3A_180, %dma_wait3A_181] : memref<82x128xi32, #tpu.memory_space<vmem>> -> memref<1x128xi32, #tpu.memory_space<vmem>>
    %dma_wait3A_183 = tpu.memref_squeeze %dma_wait3A_182 : memref<1x128xi32, #tpu.memory_space<vmem>> -> memref<128xi32, #tpu.memory_space<vmem>>
    %dma_wait3A_184 = arith.constant 0 : i32
    %dma_wait3A_185 = arith.constant 0 : i32
    %dma_wait3A_186 = tpu.memref_slice %arg2[%dma_wait3A_184, %dma_wait3A_185] : memref<100000x128xf32, #tpu.memory_space<hbm>> -> memref<100000x128xf32, #tpu.memory_space<hbm>>
    tpu.wait_indirect_dma semaphore(%arg13 : memref<!tpu.dma_semaphore, #tpu.memory_space<semaphore_mem>>) src(%dma_wait3A_186 : memref<100000x128xf32, #tpu.memory_space<hbm>>) dst(%arg7 : memref<128x128xf32, #tpu.memory_space<vmem>>)
    %add3A_187 = arith.constant 9984 : i32
    %add3A_188 = arith.addi %mul3A_2, %add3A_187 : i32
    "tpu.region"() ({
      %run_scoped3A = tpu.sem_alloc : memref<!tpu.dma_semaphore, #tpu.memory_space<semaphore_mem>>
      %dma_start3A_216 = arith.constant 0 : i32
      %dma_start3A_217 = arith.constant 0 : i32
      %dma_start3A_218 = tpu.memref_slice %arg7[%dma_start3A_216, %dma_start3A_217] : memref<128x128xf32, #tpu.memory_space<vmem>> -> memref<16x128xf32, #tpu.memory_space<vmem>>
      %dma_start3A_219 = arith.constant 0 : i32
      %dma_start3A_220 = tpu.memref_slice %arg4[%add3A_188, %dma_start3A_219] : memref<320000x128xf32, #tpu.memory_space<hbm>> -> memref<16x128xf32, #tpu.memory_space<hbm>>
      %dma_start3A_221 = arith.constant 0 : i32
      %dma_start3A_222 = tpu.memref_slice %arg4[%add3A_188, %dma_start3A_221] : memref<320000x128xf32, #tpu.memory_space<hbm>> -> memref<16x128xf32, #tpu.memory_space<hbm>>
      %dma_start3A_223 = arith.constant 0 : i32
      %dma_start3A_224 = arith.constant 0 : i32
      %dma_start3A_225 = tpu.memref_slice %arg7[%dma_start3A_223, %dma_start3A_224] : memref<128x128xf32, #tpu.memory_space<vmem>> -> memref<16x128xf32, #tpu.memory_space<vmem>>
      tpu.enqueue_dma source(%dma_start3A_225 : memref<16x128xf32, #tpu.memory_space<vmem>>) target(%dma_start3A_222 : memref<16x128xf32, #tpu.memory_space<hbm>>) target_semaphore(%run_scoped3A : memref<!tpu.dma_semaphore, #tpu.memory_space<semaphore_mem>>)
      %dma_wait3A_226 = arith.constant 0 : i32
      %dma_wait3A_227 = arith.constant 0 : i32
      %dma_wait3A_228 = tpu.memref_slice %arg7[%dma_wait3A_226, %dma_wait3A_227] : memref<128x128xf32, #tpu.memory_space<vmem>> -> memref<16x128xf32, #tpu.memory_space<vmem>>
      %dma_wait3A_229 = arith.constant 0 : i32
      %dma_wait3A_230 = tpu.memref_slice %arg4[%add3A_188, %dma_wait3A_229] : memref<320000x128xf32, #tpu.memory_space<hbm>> -> memref<16x128xf32, #tpu.memory_space<hbm>>
      %dma_wait3A_231 = arith.constant 0 : i32
      %dma_wait3A_232 = tpu.memref_slice %arg4[%add3A_188, %dma_wait3A_231] : memref<320000x128xf32, #tpu.memory_space<hbm>> -> memref<16x128xf32, #tpu.memory_space<hbm>>
      %dma_wait3A_233 = arith.constant 0 : i32
      %dma_wait3A_234 = arith.constant 0 : i32
      %dma_wait3A_235 = tpu.memref_slice %arg7[%dma_wait3A_233, %dma_wait3A_234] : memref<128x128xf32, #tpu.memory_space<vmem>> -> memref<16x128xf32, #tpu.memory_space<vmem>>
      tpu.wait_dma2 semaphore(%run_scoped3A : memref<!tpu.dma_semaphore, #tpu.memory_space<semaphore_mem>>) src(%dma_wait3A_235 : memref<16x128xf32, #tpu.memory_space<vmem>>) dst(%dma_wait3A_232 : memref<16x128xf32, #tpu.memory_space<hbm>>)
      tpu.yield
    }) : () -> ()
    %dma_wait3A_189 = arith.constant 0 : i32
    %dma_wait3A_190 = arith.constant 0 : i32
    %dma_wait3A_191 = tpu.memref_slice %arg6[%dma_wait3A_189, %dma_wait3A_190] : memref<82x128xi32, #tpu.memory_space<vmem>> -> memref<1x128xi32, #tpu.memory_space<vmem>>
    %dma_wait3A_192 = tpu.memref_squeeze %dma_wait3A_191 : memref<1x128xi32, #tpu.memory_space<vmem>> -> memref<128xi32, #tpu.memory_space<vmem>>
    %dma_wait3A_193 = arith.constant 0 : i32
    %dma_wait3A_194 = arith.constant 0 : i32
    %dma_wait3A_195 = tpu.memref_slice %arg2[%dma_wait3A_193, %dma_wait3A_194] : memref<100000x128xf32, #tpu.memory_space<hbm>> -> memref<100000x128xf32, #tpu.memory_space<hbm>>
    tpu.wait_indirect_dma semaphore(%arg14 : memref<!tpu.dma_semaphore, #tpu.memory_space<semaphore_mem>>) src(%dma_wait3A_195 : memref<100000x128xf32, #tpu.memory_space<hbm>>) dst(%arg8 : memref<128x128xf32, #tpu.memory_space<vmem>>)
    %add3A_196 = arith.constant 0 : i32
    %add3A_197 = arith.addi %mul3A_4, %add3A_196 : i32
    "tpu.region"() ({
      %run_scoped3A = tpu.sem_alloc : memref<!tpu.dma_semaphore, #tpu.memory_space<semaphore_mem>>
      %dma_start3A_216 = arith.constant 0 : i32
      %dma_start3A_217 = tpu.memref_slice %arg5[%add3A_197, %dma_start3A_216] : memref<12288x128xf32, #tpu.memory_space<hbm>> -> memref<128x128xf32, #tpu.memory_space<hbm>>
      %dma_start3A_218 = arith.constant 0 : i32
      %dma_start3A_219 = tpu.memref_slice %arg5[%add3A_197, %dma_start3A_218] : memref<12288x128xf32, #tpu.memory_space<hbm>> -> memref<128x128xf32, #tpu.memory_space<hbm>>
      tpu.enqueue_dma source(%arg8 : memref<128x128xf32, #tpu.memory_space<vmem>>) target(%dma_start3A_219 : memref<128x128xf32, #tpu.memory_space<hbm>>) target_semaphore(%run_scoped3A : memref<!tpu.dma_semaphore, #tpu.memory_space<semaphore_mem>>)
      %dma_wait3A_220 = arith.constant 0 : i32
      %dma_wait3A_221 = tpu.memref_slice %arg5[%add3A_197, %dma_wait3A_220] : memref<12288x128xf32, #tpu.memory_space<hbm>> -> memref<128x128xf32, #tpu.memory_space<hbm>>
      %dma_wait3A_222 = arith.constant 0 : i32
      %dma_wait3A_223 = tpu.memref_slice %arg5[%add3A_197, %dma_wait3A_222] : memref<12288x128xf32, #tpu.memory_space<hbm>> -> memref<128x128xf32, #tpu.memory_space<hbm>>
      tpu.wait_dma2 semaphore(%run_scoped3A : memref<!tpu.dma_semaphore, #tpu.memory_space<semaphore_mem>>) src(%arg8 : memref<128x128xf32, #tpu.memory_space<vmem>>) dst(%dma_wait3A_223 : memref<128x128xf32, #tpu.memory_space<hbm>>)
      tpu.yield
    }) : () -> ()
    %dma_wait3A_198 = arith.constant 0 : i32
    %dma_wait3A_199 = arith.constant 0 : i32
    %dma_wait3A_200 = tpu.memref_slice %arg6[%dma_wait3A_198, %dma_wait3A_199] : memref<82x128xi32, #tpu.memory_space<vmem>> -> memref<1x128xi32, #tpu.memory_space<vmem>>
    %dma_wait3A_201 = tpu.memref_squeeze %dma_wait3A_200 : memref<1x128xi32, #tpu.memory_space<vmem>> -> memref<128xi32, #tpu.memory_space<vmem>>
    %dma_wait3A_202 = arith.constant 0 : i32
    %dma_wait3A_203 = arith.constant 0 : i32
    %dma_wait3A_204 = tpu.memref_slice %arg2[%dma_wait3A_202, %dma_wait3A_203] : memref<100000x128xf32, #tpu.memory_space<hbm>> -> memref<100000x128xf32, #tpu.memory_space<hbm>>
    tpu.wait_indirect_dma semaphore(%arg15 : memref<!tpu.dma_semaphore, #tpu.memory_space<semaphore_mem>>) src(%dma_wait3A_204 : memref<100000x128xf32, #tpu.memory_space<hbm>>) dst(%arg9 : memref<128x128xf32, #tpu.memory_space<vmem>>)
    %add3A_205 = arith.constant 128 : i32
    %add3A_206 = arith.addi %mul3A_4, %add3A_205 : i32
    "tpu.region"() ({
      %run_scoped3A = tpu.sem_alloc : memref<!tpu.dma_semaphore, #tpu.memory_space<semaphore_mem>>
      %dma_start3A_216 = arith.constant 0 : i32
      %dma_start3A_217 = tpu.memref_slice %arg5[%add3A_206, %dma_start3A_216] : memref<12288x128xf32, #tpu.memory_space<hbm>> -> memref<128x128xf32, #tpu.memory_space<hbm>>
      %dma_start3A_218 = arith.constant 0 : i32
      %dma_start3A_219 = tpu.memref_slice %arg5[%add3A_206, %dma_start3A_218] : memref<12288x128xf32, #tpu.memory_space<hbm>> -> memref<128x128xf32, #tpu.memory_space<hbm>>
      tpu.enqueue_dma source(%arg9 : memref<128x128xf32, #tpu.memory_space<vmem>>) target(%dma_start3A_219 : memref<128x128xf32, #tpu.memory_space<hbm>>) target_semaphore(%run_scoped3A : memref<!tpu.dma_semaphore, #tpu.memory_space<semaphore_mem>>)
      %dma_wait3A_220 = arith.constant 0 : i32
      %dma_wait3A_221 = tpu.memref_slice %arg5[%add3A_206, %dma_wait3A_220] : memref<12288x128xf32, #tpu.memory_space<hbm>> -> memref<128x128xf32, #tpu.memory_space<hbm>>
      %dma_wait3A_222 = arith.constant 0 : i32
      %dma_wait3A_223 = tpu.memref_slice %arg5[%add3A_206, %dma_wait3A_222] : memref<12288x128xf32, #tpu.memory_space<hbm>> -> memref<128x128xf32, #tpu.memory_space<hbm>>
      tpu.wait_dma2 semaphore(%run_scoped3A : memref<!tpu.dma_semaphore, #tpu.memory_space<semaphore_mem>>) src(%arg9 : memref<128x128xf32, #tpu.memory_space<vmem>>) dst(%dma_wait3A_223 : memref<128x128xf32, #tpu.memory_space<hbm>>)
      tpu.yield
    }) : () -> ()
    %dma_wait3A_207 = arith.constant 0 : i32
    %dma_wait3A_208 = arith.constant 0 : i32
    %dma_wait3A_209 = tpu.memref_slice %arg6[%dma_wait3A_207, %dma_wait3A_208] : memref<82x128xi32, #tpu.memory_space<vmem>> -> memref<1x128xi32, #tpu.memory_space<vmem>>
    %dma_wait3A_210 = tpu.memref_squeeze %dma_wait3A_209 : memref<1x128xi32, #tpu.memory_space<vmem>> -> memref<128xi32, #tpu.memory_space<vmem>>
    %dma_wait3A_211 = arith.constant 0 : i32
    %dma_wait3A_212 = arith.constant 0 : i32
    %dma_wait3A_213 = tpu.memref_slice %arg2[%dma_wait3A_211, %dma_wait3A_212] : memref<100000x128xf32, #tpu.memory_space<hbm>> -> memref<100000x128xf32, #tpu.memory_space<hbm>>
    tpu.wait_indirect_dma semaphore(%arg16 : memref<!tpu.dma_semaphore, #tpu.memory_space<semaphore_mem>>) src(%dma_wait3A_213 : memref<100000x128xf32, #tpu.memory_space<hbm>>) dst(%arg10 : memref<128x128xf32, #tpu.memory_space<vmem>>)
    %add3A_214 = arith.constant 256 : i32
    %add3A_215 = arith.addi %mul3A_4, %add3A_214 : i32
    "tpu.region"() ({
      %run_scoped3A = tpu.sem_alloc : memref<!tpu.dma_semaphore, #tpu.memory_space<semaphore_mem>>
      %dma_start3A_216 = arith.constant 0 : i32
      %dma_start3A_217 = tpu.memref_slice %arg5[%add3A_215, %dma_start3A_216] : memref<12288x128xf32, #tpu.memory_space<hbm>> -> memref<128x128xf32, #tpu.memory_space<hbm>>
      %dma_start3A_218 = arith.constant 0 : i32
      %dma_start3A_219 = tpu.memref_slice %arg5[%add3A_215, %dma_start3A_218] : memref<12288x128xf32, #tpu.memory_space<hbm>> -> memref<128x128xf32, #tpu.memory_space<hbm>>
      tpu.enqueue_dma source(%arg10 : memref<128x128xf32, #tpu.memory_space<vmem>>) target(%dma_start3A_219 : memref<128x128xf32, #tpu.memory_space<hbm>>) target_semaphore(%run_scoped3A : memref<!tpu.dma_semaphore, #tpu.memory_space<semaphore_mem>>)
      %dma_wait3A_220 = arith.constant 0 : i32
      %dma_wait3A_221 = tpu.memref_slice %arg5[%add3A_215, %dma_wait3A_220] : memref<12288x128xf32, #tpu.memory_space<hbm>> -> memref<128x128xf32, #tpu.memory_space<hbm>>
      %dma_wait3A_222 = arith.constant 0 : i32
      %dma_wait3A_223 = tpu.memref_slice %arg5[%add3A_215, %dma_wait3A_222] : memref<12288x128xf32, #tpu.memory_space<hbm>> -> memref<128x128xf32, #tpu.memory_space<hbm>>
      tpu.wait_dma2 semaphore(%run_scoped3A : memref<!tpu.dma_semaphore, #tpu.memory_space<semaphore_mem>>) src(%arg10 : memref<128x128xf32, #tpu.memory_space<vmem>>) dst(%dma_wait3A_223 : memref<128x128xf32, #tpu.memory_space<hbm>>)
      tpu.yield
    }) : () -> ()
    return
  }
}

module attributes {stable_mosaic.version = 14 : i64} {
  func.func @_mlp_body(%arg0: i32, %arg1: memref<12800x128xf32, #tpu.memory_space<vmem>>, %arg2: memref<400x128xf32, #tpu.memory_space<vmem>>, %arg3: memref<128x128xf32, #tpu.memory_space<vmem>>, %arg4: memref<128x128xf32, #tpu.memory_space<vmem>>, %arg5: memref<1x128xf32, #tpu.memory_space<vmem>>, %arg6: memref<128x128xf32, #tpu.memory_space<vmem>>, %arg7: memref<1x128xf32, #tpu.memory_space<vmem>>, %arg8: memref<128x1xf32, #tpu.memory_space<vmem>>, %arg9: memref<400x128xf32, #tpu.memory_space<vmem>>) attributes {dimension_semantics = [#tpu.dimension_semantics<arbitrary>], iteration_bounds = array<i64: 25>, scalar_prefetch = 0 : i64, scratch_operands = 0 : i64, tpu.core_type = #tpu.core_type<tc>, window_params = [{transform_indices = @transform_0, window_bounds = array<i64: 12800, 128>}, {transform_indices = @transform_1, window_bounds = array<i64: 400, 128>}, {pipeline_mode = #tpu.pipeline_mode<synchronous>, transform_indices = @transform_2, window_bounds = array<i64: 128, 128>}, {pipeline_mode = #tpu.pipeline_mode<synchronous>, transform_indices = @transform_3, window_bounds = array<i64: 128, 128>}, {pipeline_mode = #tpu.pipeline_mode<synchronous>, transform_indices = @transform_4, window_bounds = array<i64: 1, 128>}, {pipeline_mode = #tpu.pipeline_mode<synchronous>, transform_indices = @transform_5, window_bounds = array<i64: 128, 128>}, {pipeline_mode = #tpu.pipeline_mode<synchronous>, transform_indices = @transform_6, window_bounds = array<i64: 1, 128>}, {pipeline_mode = #tpu.pipeline_mode<synchronous>, transform_indices = @transform_7, window_bounds = array<i64: 128, 1>}, {transform_indices = @transform_8, window_bounds = array<i64: 400, 128>}]} {
    %get3A = arith.constant 0 : index
    %get3A_0 = arith.constant 0 : index
    %get3A_1 = vector.load %arg1[%get3A, %get3A_0] : memref<12800x128xf32, #tpu.memory_space<vmem>>, vector<12800x128xf32>
    %get3A_2 = arith.constant 0 : index
    %get3A_3 = arith.constant 0 : index
    %get3A_4 = vector.load %arg2[%get3A_2, %get3A_3] : memref<400x128xf32, #tpu.memory_space<vmem>>, vector<400x128xf32>
    %get3A_5 = arith.constant 0 : index
    %get3A_6 = arith.constant 0 : index
    %get3A_7 = vector.load %arg4[%get3A_5, %get3A_6] : memref<128x128xf32, #tpu.memory_space<vmem>>, vector<128x128xf32>
    %dot_general3A = arith.constant dense<0.000000e+00> : vector<400x128xf32>
    %dot_general3A_8 = tpu.matmul %get3A_4, %get3A_7, %dot_general3A {dimension_numbers = #tpu.dot_dimension_numbers<[1], [0], [0], [1], [0, 0, 1, 1], [], []>, transpose_lhs_hint = false} : vector<400x128xf32>, vector<128x128xf32>, vector<400x128xf32> -> vector<400x128xf32>
    %get3A_9 = arith.constant 0 : index
    %get3A_10 = arith.constant 0 : index
    %get3A_11 = vector.load %arg5[%get3A_9, %get3A_10] : memref<1x128xf32, #tpu.memory_space<vmem>>, vector<1x128xf32>
    %add3A = vector.broadcast %get3A_11 : vector<1x128xf32> to vector<400x128xf32>
    %add3A_12 = arith.addf %dot_general3A_8, %add3A : vector<400x128xf32>
    %broadcast_in_dim3A = vector.shape_cast %add3A_12 : vector<400x128xf32> to vector<400x1x128xf32>
    %broadcast_in_dim3A_13 = vector.shape_cast %broadcast_in_dim3A : vector<400x1x128xf32> to vector<400x1x128xf32>
    %broadcast_in_dim3A_14 = vector.broadcast %broadcast_in_dim3A_13 : vector<400x1x128xf32> to vector<400x32x128xf32>
    %reshape3A = vector.shape_cast %broadcast_in_dim3A_14 : vector<400x32x128xf32> to vector<12800x128xf32>
    %get3A_15 = arith.constant 0 : index
    %get3A_16 = arith.constant 0 : index
    %get3A_17 = vector.load %arg3[%get3A_15, %get3A_16] : memref<128x128xf32, #tpu.memory_space<vmem>>, vector<128x128xf32>
    %dot_general3A_18 = arith.constant dense<0.000000e+00> : vector<12800x128xf32>
    %dot_general3A_19 = tpu.matmul %get3A_1, %get3A_17, %dot_general3A_18 {dimension_numbers = #tpu.dot_dimension_numbers<[1], [0], [0], [1], [0, 0, 1, 1], [], []>, transpose_lhs_hint = false} : vector<12800x128xf32>, vector<128x128xf32>, vector<12800x128xf32> -> vector<12800x128xf32>
    %add3A_20 = arith.addf %dot_general3A_19, %reshape3A : vector<12800x128xf32>
    %max3A = arith.constant 0.000000e+00 : f32
    %max3A_21 = vector.broadcast %max3A : f32 to vector<12800x128xf32>
    %max3A_22 = arith.maximumf %add3A_20, %max3A_21 : vector<12800x128xf32>
    %get3A_23 = arith.constant 0 : index
    %get3A_24 = arith.constant 0 : index
    %get3A_25 = vector.load %arg6[%get3A_23, %get3A_24] : memref<128x128xf32, #tpu.memory_space<vmem>>, vector<128x128xf32>
    %dot_general3A_26 = arith.constant dense<0.000000e+00> : vector<12800x128xf32>
    %dot_general3A_27 = tpu.matmul %max3A_22, %get3A_25, %dot_general3A_26 {dimension_numbers = #tpu.dot_dimension_numbers<[1], [0], [0], [1], [0, 0, 1, 1], [], []>, transpose_lhs_hint = false} : vector<12800x128xf32>, vector<128x128xf32>, vector<12800x128xf32> -> vector<12800x128xf32>
    %get3A_28 = arith.constant 0 : index
    %get3A_29 = arith.constant 0 : index
    %get3A_30 = vector.load %arg7[%get3A_28, %get3A_29] : memref<1x128xf32, #tpu.memory_space<vmem>>, vector<1x128xf32>
    %add3A_31 = vector.broadcast %get3A_30 : vector<1x128xf32> to vector<12800x128xf32>
    %add3A_32 = arith.addf %dot_general3A_27, %add3A_31 : vector<12800x128xf32>
    %max3A_33 = arith.constant 0.000000e+00 : f32
    %max3A_34 = vector.broadcast %max3A_33 : f32 to vector<12800x128xf32>
    %max3A_35 = arith.maximumf %add3A_32, %max3A_34 : vector<12800x128xf32>
    %get3A_36 = arith.constant 0 : index
    %get3A_37 = arith.constant 0 : index
    %get3A_38 = vector.load %arg8[%get3A_36, %get3A_37] : memref<128x1xf32, #tpu.memory_space<vmem>>, vector<128x1xf32>
    %dot_general3A_39 = arith.constant dense<0.000000e+00> : vector<12800x1xf32>
    %dot_general3A_40 = tpu.matmul %max3A_35, %get3A_38, %dot_general3A_39 {dimension_numbers = #tpu.dot_dimension_numbers<[1], [0], [0], [1], [0, 0, 1, 1], [], []>, transpose_lhs_hint = false} : vector<12800x128xf32>, vector<128x1xf32>, vector<12800x1xf32> -> vector<12800x1xf32>
    %reshape3A_41 = vector.shape_cast %dot_general3A_40 : vector<12800x1xf32> to vector<400x32x1xf32>
    %reduce_max3A = arith.constant dense<0xFF800000> : vector<400x1xf32>
    %reduce_max3A_42 = vector.multi_reduction <maximumf>, %reshape3A_41, %reduce_max3A [1] : vector<400x32x1xf32> to vector<400x1xf32>
    %broadcast_in_dim3A_43 = vector.shape_cast %reduce_max3A_42 : vector<400x1xf32> to vector<400x1x1xf32>
    %sub3A = vector.broadcast %broadcast_in_dim3A_43 : vector<400x1x1xf32> to vector<400x32x1xf32>
    %sub3A_44 = arith.subf %reshape3A_41, %sub3A : vector<400x32x1xf32>
    %exp3A = math.exp %sub3A_44 : vector<400x32x1xf32>
    %reduce_sum3A = arith.constant dense<0.000000e+00> : vector<400x1xf32>
    %reduce_sum3A_45 = vector.multi_reduction <add>, %exp3A, %reduce_sum3A [1] : vector<400x32x1xf32> to vector<400x1xf32>
    %broadcast_in_dim3A_46 = vector.shape_cast %reduce_sum3A_45 : vector<400x1xf32> to vector<400x1x1xf32>
    %div3A = vector.broadcast %broadcast_in_dim3A_46 : vector<400x1x1xf32> to vector<400x32x1xf32>
    %div3A_47 = arith.divf %exp3A, %div3A : vector<400x32x1xf32>
    %reshape3A_48 = vector.shape_cast %get3A_1 : vector<12800x128xf32> to vector<400x32x128xf32>
    %mul3A = vector.broadcast %div3A_47 : vector<400x32x1xf32> to vector<400x32x128xf32>
    %mul3A_49 = arith.mulf %reshape3A_48, %mul3A : vector<400x32x128xf32>
    %reduce_sum3A_50 = arith.constant dense<0.000000e+00> : vector<400x128xf32>
    %reduce_sum3A_51 = vector.multi_reduction <add>, %mul3A_49, %reduce_sum3A_50 [1] : vector<400x32x128xf32> to vector<400x128xf32>
    %swap3A = arith.constant 0 : index
    %swap3A_52 = arith.constant 0 : index
    %swap3A_53 = vector.load %arg9[%swap3A, %swap3A_52] : memref<400x128xf32, #tpu.memory_space<vmem>>, vector<400x128xf32>
    tpu.vector_store %arg9[%swap3A, %swap3A_52], %reduce_sum3A_51 {strides = array<i32>} : memref<400x128xf32, #tpu.memory_space<vmem>>, vector<400x128xf32>,
    return
  }
  func.func @transform_0(%arg0: i32) -> (i32, i32) {
    %c0_i32 = arith.constant 0 : i32
    %c0_i32_0 = arith.constant 0 : i32
    return %arg0, %c0_i32 : i32, i32
  }
  func.func @transform_1(%arg0: i32) -> (i32, i32) {
    %c0_i32 = arith.constant 0 : i32
    %c0_i32_0 = arith.constant 0 : i32
    return %arg0, %c0_i32 : i32, i32
  }
  func.func @transform_2(%arg0: i32) -> (i32, i32) {
    %c0_i32 = arith.constant 0 : i32
    %c0_i32_0 = arith.constant 0 : i32
    %c0_i32_1 = arith.constant 0 : i32
    return %c0_i32, %c0_i32_0 : i32, i32
  }
  func.func @transform_3(%arg0: i32) -> (i32, i32) {
    %c0_i32 = arith.constant 0 : i32
    %c0_i32_0 = arith.constant 0 : i32
    %c0_i32_1 = arith.constant 0 : i32
    return %c0_i32, %c0_i32_0 : i32, i32
  }
  func.func @transform_4(%arg0: i32) -> (i32, i32) {
    %c0_i32 = arith.constant 0 : i32
    %c0_i32_0 = arith.constant 0 : i32
    %c0_i32_1 = arith.constant 0 : i32
    return %c0_i32, %c0_i32_0 : i32, i32
  }
  func.func @transform_5(%arg0: i32) -> (i32, i32) {
    %c0_i32 = arith.constant 0 : i32
    %c0_i32_0 = arith.constant 0 : i32
    %c0_i32_1 = arith.constant 0 : i32
    return %c0_i32, %c0_i32_0 : i32, i32
  }
  func.func @transform_6(%arg0: i32) -> (i32, i32) {
    %c0_i32 = arith.constant 0 : i32
    %c0_i32_0 = arith.constant 0 : i32
    %c0_i32_1 = arith.constant 0 : i32
    return %c0_i32, %c0_i32_0 : i32, i32
  }
  func.func @transform_7(%arg0: i32) -> (i32, i32) {
    %c0_i32 = arith.constant 0 : i32
    %c0_i32_0 = arith.constant 0 : i32
    %c0_i32_1 = arith.constant 0 : i32
    return %c0_i32, %c0_i32_0 : i32, i32
  }
  func.func @transform_8(%arg0: i32) -> (i32, i32) {
    %c0_i32 = arith.constant 0 : i32
    %c0_i32_0 = arith.constant 0 : i32
    return %arg0, %c0_i32 : i32, i32
  }
}

</mosaic_0001>

<sc_bundles>
// kernel: kernel.4.cloned.1.call-start
scs
__scs_entry_jumppad:
0x0: {  	(pc) =	sbr.rel $0x88, $3  }
0x1: {  	(tag) =	ssettag $0x0;
	lr =	simm.s32 $0x1  }
0x2: {  	[smem:$0x3F99] =	sst lr;
	_ =	strace $0xD0000000  }
0x3: {  	_ = 	snop  }
0x4: {  	_ = 	snop  }
0x5: {  	_ = 	snop  }
0x6: {  	_ = 	snop  }
0x7: {  	_ = 	snop  }
__scs_overlays_trampoline_lowered:
0x8: {  	[smem:$0x3FA8] =	sst s0  }
0x9: {  	[smem:$0x3FA9] =	sst s1  }
0xa: {  	[smem:$0x3FAA] =	sst s2  }
0xb: {  	[smem:$0x3FAB] =	sst s3  }
0xc: {  	[smem:$0x3FAC] =	sst s4  }
0xd: {  	[smem:$0x3FAD] =	sst s5  }
0xe: {  	[smem:$0x3FAE] =	sst s6  }
0xf: {  	[smem:$0x3FAF] =	sst s7  }
0x10: {  	[smem:$0x3FB0] =	sst s8  }
0x11: {  	[smem:$0x3FB1] =	sst s9;
	s0 =	simm.s32 @!p0 $0x0  }
0x12: {  	s1 =	sld [smem:$0x3F97];
	s0 =	simm.s32 @p0 $0x1  }
0x13: {  	[smem:$0x3FB2] =	sst s0;
	s0 =	simm.s32 @!p1 $0x0  }
0x14: {  	s2 =	sld [smem:$0x3F96];
	s0 =	simm.s32 @p1 $0x1  }
0x15: {  	[smem:$0x3FB3] =	sst s0;
	s0 =	simm.s32 @!p2 $0x0  }
0x16: {  	s3 =	sld [smem:$0x3FDB];
	s0 =	simm.s32 @p2 $0x1  }
0x17: {  	s4 =	simm.s32 $0x1BF5;
	[smem:$0x3FB5] =	sst s0  }
0x18: {  	s0 =	sld [smem:$0x3F98];
	_ =	swait.ge [sflag:s4], $0x0  }
0x19: {  	s7 =	sld [smem:$0x3F99]  }
0x1a: {  	s8 =	sadd.s32 $0xFFFFE003, lr  }
0x1b: {  	s9 =	sadd.s32 $0xFFFFFEF7, lr;
	s5 =	simm.s32 $0xFFFFFFFF;
	p2 =	slt.u32 s8, $0xFFFFF086  }
0x1c: {  	p1 =	slt.u32 s9, $0xF7A;
	s5 =	simm.s32 @!p2 $0x0  }
0x1d: {  	s5 =	simm.s32 @p1 $0x1;
	p0 =	seq.s32 s7, s2  }
0x1e: {  	s7 =	smul.u32 @!p0 $0xF7A, s2;
	p2 =	seq.s32 @!p0 s5, $0x0  }
0x1f: {  	s9 =	smul.u32 $0xF7A, s1;
	s8 =	simm.s32 @!p0 $0x1BF5;
	p2 =	por !p2, p0  }
0x20: {  	[sflag:s8] =	ssyncset.s32 @!p0 $0xFFFFF086;
	s6 =	sadd.s32 @!p0 s3, s7;
	s7 =	simm.s32 @!p0 $0x108  }
0x21: {  	s3 =	sadd.s32 s3, s9;
	s6 =	sadd.s32 @!p0 $0x88, s6;
	s7 =	simm.s32 @p2 $0x1082  }
0x22: {  	[simem:s7], [sflag:s8] =	dma.local @!p0 [hbm:s6], $0xF7A  }
0x23: {  	s9 =	sor.u32 $0xD0000000, s2;
	s6 =	simm.s32 $0x108;
	_ =	swait.ge @!p0 [sflag:s8], $0x0  }
0x24: {  	s3 =	sadd.s32 $0x88, s3;
	s6 =	simm.s32 @!p1 $0x1082;
	[sflag:s4] =	ssyncset.s32 $0xFFFFF086  }
0x25: {  	[simem:s6], [sflag:s4] =	dma.local [hbm:s3], $0xF7A  }
0x26: {  	[smem:$0x3F99] =	sst s1;
	(tag) =	ssettag s2;
	_ =	strace s9  }
0x27: {  	s1 =	sld [smem:$0x3FA9]  }
0x28: {  	s2 =	sld [smem:$0x3FAA]  }
0x29: {  	s4 =	sld [smem:$0x3FAC]  }
0x2a: {  	p0 =	seq.s32 s5, $0x0;
	s5 =	sld [smem:$0x3FAD]  }
0x2b: {  	s6 =	sld [smem:$0x3FAE]  }
0x2c: {  	s7 =	sld [smem:$0x3FAF]  }
0x2d: {  	s3 =	simm.s32 $0x108;
	s8 =	sld [smem:$0x3FB0]  }
0x2e: {  	s3 =	simm.s32 @!p0 $0x1082;
	s9 =	sld [smem:$0x3FB1]  }
0x2f: {  	lr =	sadd.s32 s0, s3;
	s0 =	sld [smem:$0x3FA8]  }
0x30: {  	s3 =	sld [smem:$0x3FAB]  }
0x31: {  	[smem:$0x3FB4] =	sst s10  }
0x32: {  	s10 =	sld [smem:$0x3FB2];
	_ =	sdelay $0x3  }
0x33: {  	p0 =	seq.s32 s10, $0x1;
	s10 =	sld [smem:$0x3FB4];
	_ =	sdelay $0x3  }
0x34: {  	[smem:$0x3FB4] =	sst s10  }
0x35: {  	s10 =	sld [smem:$0x3FB3];
	_ =	sdelay $0x3  }
0x36: {  	p1 =	seq.s32 s10, $0x1;
	s10 =	sld [smem:$0x3FB4];
	_ =	sdelay $0x3  }
0x37: {  	[smem:$0x3FB4] =	sst s10  }
0x38: {  	s10 =	sld [smem:$0x3FB5]  }
0x39: {  	_ = 	snop;
	(pc) =	sbr.ind lr, $3  }
0x3a: {  	_ = 	snop  }
0x3b: {  	_ = 	snop  }
0x3c: {  	p2 =	seq.s32 s10, $0x1;
	s10 =	sld [smem:$0x3FB4]  }
0x3d: {  	_ =	shalt  }
0x3e: {  	_ =	shalt  }
0x3f: {  	_ =	shalt  }
0x40: {  	_ =	shalt  }
0x41: {  	_ =	shalt  }
0x42: {  	_ =	shalt  }
0x43: {  	_ =	shalt  }
0x44: {  	_ =	shalt  }
0x45: {  	_ =	shalt  }
0x46: {  	_ =	shalt  }
0x47: {  	_ =	shalt  }
0x48: {  	_ =	shalt  }
0x49: {  	_ =	shalt  }
0x4a: {  	_ =	shalt  }
0x4b: {  	_ =	shalt  }
0x4c: {  	_ =	shalt  }
0x4d: {  	_ =	shalt  }
0x4e: {  	_ =	shalt  }
0x4f: {  	_ =	shalt  }
0x50: {  	_ =	shalt  }
0x51: {  	_ =	shalt  }
0x52: {  	_ =	shalt  }
0x53: {  	_ =	shalt  }
0x54: {  	_ =	shalt  }
0x55: {  	_ =	shalt  }
0x56: {  	_ =	shalt  }
0x57: {  	_ =	shalt  }
0x58: {  	_ =	shalt  }
0x59: {  	_ =	shalt  }
0x5a: {  	_ =	shalt  }
0x5b: {  	_ =	shalt  }
0x5c: {  	_ =	shalt  }
0x5d: {  	_ =	shalt  }
0x5e: {  	_ =	shalt  }
0x5f: {  	_ =	shalt  }
0x60: {  	_ =	shalt  }
0x61: {  	_ =	shalt  }
0x62: {  	_ =	shalt  }
0x63: {  	_ =	shalt  }
0x64: {  	_ =	shalt  }
0x65: {  	_ =	shalt  }
0x66: {  	_ =	shalt  }
0x67: {  	_ =	shalt  }
0x68: {  	_ =	shalt  }
0x69: {  	_ =	shalt  }
0x6a: {  	_ =	shalt  }
0x6b: {  	_ =	shalt  }
0x6c: {  	_ =	shalt  }
0x6d: {  	_ =	shalt  }
0x6e: {  	_ =	shalt  }
0x6f: {  	_ =	shalt  }
0x70: {  	_ =	shalt  }
0x71: {  	_ =	shalt  }
0x72: {  	_ =	shalt  }
0x73: {  	_ =	shalt  }
0x74: {  	_ =	shalt  }
0x75: {  	_ =	shalt  }
0x76: {  	_ =	shalt  }
0x77: {  	_ =	shalt  }
0x78: {  	_ =	shalt  }
0x79: {  	_ =	shalt  }
0x7a: {  	_ =	shalt  }
0x7b: {  	_ =	shalt  }
0x7c: {  	_ =	shalt  }
0x7d: {  	_ =	shalt  }
0x7e: {  	_ =	shalt  }
0x7f: {  	_ =	shalt  }
0x80: {  	_ =	shalt  }
0x81: {  	_ =	shalt  }
0x82: {  	_ =	shalt  }
0x83: {  	_ =	shalt  }
0x84: {  	_ =	shalt  }
0x85: {  	_ =	shalt  }
0x86: {  	_ =	shalt  }
0x87: {  	_ =	shalt  }
.Lfunc_end0:
.L_simem_size_0:
called_computation_lowered:
.L_overlay_start_0:
0x88: {  	s2 =	sld [smem:$0x3FD9]  }
0x89: {  	s3 =	sld [smem:$0x3FFE];
	_ =	sdelay $0x1  }
0x8a: {  	s1 =	srdreg.scid  }
0x8b: {  	s0 =	sand.u32 $0x1, s1  }
0x8c: {  	s17 =	sshll.u32 s0, $0xA;
	s2 =	sadd.s32 s3, s2  }
0x8d: {  	s2 =	sadd.s32 s2, s17  }
0x8e: {  	[smem:$0x3FC0] =	sst s2  }
0x8f: {  	_ = 	snop  }
0x90: {  	s2 =	sld [smem:$0x3FC7]  }
0x91: {  	s18 =	sld [smem:$0x3FD0];
	(tm) =	ssettm $0x1  }
0x92: {  	s4 =	sld [smem:$0x3FFB];
	_ =	sdelay $0x3  }
0x93: {  	_ =	strace s4  }
0x94: {  	s4 =	sld [smem:$0x3FFC];
	_ =	sdelay $0x3  }
0x95: {  	_ =	strace s4  }
0x96: {  	s4 =	sld [smem:$0x3FFD];
	_ =	sdelay $0x3  }
0x97: {  	_ =	strace s4  }
0x98: {  	_ =	strace $0x8FFFFFFF  }
0x99: {  	s19 =	sld [smem:$0x3FDB];
	_ =	sdelay $0x1  }
0x9a: {  	s5 =	simm.s32 $_scs_section_size  }
0x9b: {  	s6 =	simm.s32 $_size__tile_overlayer_lowered;
	s7 =	simm.s32 $_tile_overlayer_lowered  }
0x9c: {  	s22 =	simm.s32 $0x1BFF;
	s21 =	sshll.u32 s7, $0x1;
	s4 =	sadd.s32 s5, s19  }
0x9d: {  	s8 =	simm.s32 $0x0;
	s20 =	sshll.u32 s6, $0x1;
	s6 =	sadd.s32 s21, s4  }
0x9e: {  	[timem:s8], [sflag:s22] =	dma.local [hbm:s6], s20  }
0x9f: {  	_ =	swait.ge [sflag:s22], s20  }
0xa0: {  	s5 =	ssub.s32 $0x0, s20;
	[sflag:s22] =	ssyncset.done $0x0  }
0xa1: {  	[sflag:s22] =	ssyncadd.s32 s5;
	_ =	sdelay $0x1  }
0xa2: {  	s23 =	simm.s32 $0x1B8B  }
0xa3: {  	_ =	swait.ge [sflag:s23], $0x1  }
0xa4: {  	[sflag:s23] =	ssyncset.done $0x0  }
0xa5: {  	s25 =	simm.s32 $0x1B8E;
	s24 =	sld [smem:$0x3FFE];
	[sflag:s23] =	ssyncadd.s32 $0xFFFFFFFF  }
0xa6: {  	s26 =	simm.s32 $execute0_lowered;
	[smem:$0x3FD2] =	sst s25  }
0xa7: {  	s6 =	sshll.u32 s26, $0x1;
	_ =	strace $0x80000046;
	[dreg:$0x1] =	wrdreg $0xFFFFFFFF  }
0xa8: {  	s28 =	simm.s32 $_size_execute0_lowered;
	s4 =	sadd.s32 s4, s6;
	[dreg:$0x0] =	wrdreg $0x0  }
0xa9: {  	s6 =	sshll.u32 s28, $0x1;
	[dreg:$0x2] =	wrdreg s4  }
0xaa: {  	[dreg:$0x3] =	wrdreg s6  }
0xab: {  	[dreg:$0x4] =	wrdreg $0xC0  }
0xac: {  	_ =	task [dreg:s8], $0x5FFFF  }
0xad: {  	[dreg:$0x1] =	wrdreg $0xFFFFFFFF  }
0xae: {  	[dreg:$0x0] =	wrdreg $0x60  }
0xaf: {  	[dreg:$0x2] =	wrdreg s2  }
0xb0: {  	[dreg:$0x3] =	wrdreg s18  }
0xb1: {  	[dreg:$0x4] =	wrdreg s24  }
0xb2: {  	[dreg:$0x5] =	wrdreg $0x9  }
0xb3: {  	_ =	task.clear_ibuf [dreg:s8], $0x6FFFF;
	_ =	strace $0x90000046  }
0xb4: {  	s29 =	simm.s32 $0x9;
	_ =	strace $0x80000048  }
0xb5: {  	_ =	swait.ge [sflag:s29], $0x1  }
0xb6: {  	[sflag:s29] =	ssyncadd.s32 $0xFFFFFFFF  }
0xb7: {  	_ =	strace $0x90000048  }
0xb8: {  	_ =	sfence  }
0xb9: {  	s30 =	sld [smem:$0x0];
	_ =	sdelay $0x2  }
0xba: {  	s31 =	sshll.u32 s1, $0xD;
	s1 =	sshrl.u32 s1, $0x2  }
0xbb: {  	s3 =	sand.u32 $0x4000, s31;
	s1 =	sadd.s32 s1, s30  }
0xbc: {  	s0 =	sor.u32 s3, s0;
	s1 =	sshll.u32 s1, $0x11  }
0xbd: {  	s0 =	sor.u32 s1, s0  }
0xbe: {  	s0 =	sadd.s32 $0x8F2B, s0  }
0xbf: {  	[sflag:s0] =	ssyncadd.remote.s32 $0x1  }
0xc0: {  	_ =	sfence.sel $0xFFFF  }
0xc1: {  	[dreg:$0x0] =	wrdreg $0xFFFFFFFF;
	(pc) =	sbr.abs _section_cstart, $3  }
0xc2: {  	[dreg:$0x1] =	wrdreg $0xFFFFFFFF  }
0xc3: {  	_ =	task.clear_ibuf [dreg:s8], $0x2FFFF;
	_ =	strace $0x9FFFFFFF  }
0xc4: {  	(tm) =	ssettm $0x7FFFFFFF  }
0xc5: {  	_ =	shalt  }
tec
execute0_lowered:
.L_overlay_start_1:
0x0: {  	(tag) =	ssettag $0x1  }
0x1: {  	s1 =	rddreg [dreg:$0x0]  }
0x2: {  	s0 =	rddreg [dreg:$0x1];
	s2 =	srdreg.scid  }
0x3: {  	s11 =	stileid.u32;
	s4 =	rddreg [dreg:$0x2]  }
0x4: {  	s3 =	simm.s32 $0x0;
	s29 =	simm.s32 $0x16C00;
	s30 =	simm.s32 $0x1  }
0x5: {  	s2 =	sand.u32 $0x1, s2;
	s5 =	sshll.u32 s11, $0x1;
	s24 =	smul.u32 $0x4E200, s11  }
0x6: {  	s5 =	sor.u32 s2, s5;
	s8 =	ssub.s32 $0x2, s2;
	s2 =	smul.u32 $0x27100, s2  }
0x7: {  	s31 =	simm.s32 $0x2;
	s28 =	simm.s32 $0x8;
	s6 =	smul.u32 $0x138800, s5  }
0x8: {  	[smem:$0x7FF] =	sst s3;
	s7 =	sadd.s32 $0x31600, s4;
	s9 =	smul.u32 $0x580, s5  }
0x9: {  	s4 =	sadd.s32 $0x1600, s4;
	_ =	strace $0x80000047;
	s20 =	smul.u32 $0xC000, s5  }
0xa: {  	s10 =	sshrl.u32 s8, $0x1;
	s5 =	smul.u32 $0x1800, s5;
	s25 =	sadd.s32 s24, s7  }
0xb: {  	s24 =	simm.s32 $0xEC00;
	s8 =	ssub.s32 s8, s10;
	s26 =	sadd.s32 s2, s25  }
0xc: {  	s2 =	simm.s32 $0x3;
	s25 =	simm.s32 $0x7;
	s6 =	sshrl.u32 s6, $0x3  }
0xd: {  	s0 =	sadd.s32 s0, s9;
	s15 =	smax.u32 s8, $0x1;
	s6 =	sadd.s32 s7, s6  }
0xe: {  	s16 =	sadd.s32 $0x2800, s26;
	[dreg:$0x4] =	wrdreg s0;
	s17 =	sadd.s32 $0x24000, s6  }
0xf: {  	s26 =	simm.s32 $0x12C00;
	s18 =	sadd.s32 $0x24800, s6;
	[dreg:$0x5] =	wrdreg s17  }
0x10: {  	s8 =	simm.s32 $0x0;
	s19 =	sadd.s32 $0x25000, s6;
	[dreg:$0x6] =	wrdreg s18  }
0x11: {  	s0 =	sshrl.u32 s20, $0x3;
	s21 =	sadd.s32 $0x25800, s6;
	[dreg:$0x7] =	wrdreg s19  }
0x12: {  	s20 =	simm.s32 $0x6C00;
	s22 =	sadd.s32 $0x26000, s6;
	[dreg:$0x8] =	wrdreg s21  }
0x13: {  	s7 =	simm.s32 $0xC;
	s23 =	sadd.s32 $0x26800, s6;
	[dreg:$0x9] =	wrdreg s22  }
0x14: {  	s6 =	sadd.s32 $0x27000, s6;
	s0 =	sadd.s32 s4, s0;
	[dreg:$0xa] =	wrdreg s23  }
0x15: {  	s4 =	sadd.s32 s4, s5;
	s5 =	simm.s32 $0xA;
	[dreg:$0xb] =	wrdreg s6  }
0x16: {  	[dreg:$0xc] =	wrdreg s4;
	s13 =	sadd.s32 $0x800, s0;
	s14 =	sadd.s32 $0x1000, s0  }
0x17: {  	s17 =	simm.s32 $0xD;
	s18 =	simm.s32 $0x80;
	s19 =	simm.s32 $0x2C00  }
0x18: {  	s22 =	simm.s32 $0xAC00;
	s0 =	simm.s32 $0x4;
	s21 =	simm.s32 $0x5  }
0x19: {  	s23 =	simm.s32 $0x6;
	s4 =	simm.s32 $0x9;
	s6 =	simm.s32 $0xB  }
.LBB2_1:
0x1a: {  	s9 =	rddreg [dreg:$0x4]  }
0x1b: {  	[tilespmem:s3], [sflag:$0xD] =	stream.linear.gather [hbm4b:s9+s3], $0x2900, $0x38;
	[tilespmem:$0x1AC00] =	vst v63  }
0x1c: {  	_ =	swait.ge [sflag:s17], $0x2900  }
0x1d: {  	[sflag:s17] =	ssyncset.done $0x0  }
0x1e: {  	[sflag:s17] =	ssyncadd.s32 $0xFFFFD700  }
0x1f: {  	[tilespmem:s19], [sflag:$0x1] =	stream.indirect.gather [hbm4b:s1+s18], $0x80, s3, s18, $0xb8;
	[tilespmem:$0x1AC00] =	vst v63  }
0x20: {  	_ = 	snop  }
0x21: {  	[tilespmem:s20], [sflag:$0x2] =	stream.indirect.gather [hbm4b:s1+s18], $0x80, s18, s18, $0xb8;
	[tilespmem:$0x1AC00] =	vst v63  }
0x22: {  	s11 =	simm.s32 $0x100  }
0x23: {  	[tilespmem:s22], [sflag:$0x3] =	stream.indirect.gather [hbm4b:s1+s18], $0x80, s11, s18, $0xb8;
	[tilespmem:$0x1AC00] =	vst v63  }
0x24: {  	s12 =	simm.s32 $0x180  }
0x25: {  	[tilespmem:s24], [sflag:$0x4] =	stream.indirect.gather [hbm4b:s1+s18], $0x80, s12, s18, $0xb8;
	[tilespmem:$0x1AC00] =	vst v63  }
0x26: {  	s10 =	simm.s32 $0x200  }
0x27: {  	[tilespmem:s26], [sflag:$0x5] =	stream.indirect.gather [hbm4b:s1+s18], $0x80, s10, s18, $0xb8;
	[tilespmem:$0x1AC00] =	vst v63  }
0x28: {  	s11 =	simm.s32 $0x280  }
0x29: {  	[tilespmem:s29], [sflag:$0x6] =	stream.indirect.gather [hbm4b:s1+s18], $0x80, s11, s18, $0xb8;
	[tilespmem:$0x1AC00] =	vst v63  }
0x2a: {  	_ =	swait.ge [sflag:s30], $0x4000  }
0x2b: {  	[sflag:s30] =	ssyncset.done $0x0  }
0x2c: {  	s12 =	sadd.s32 $0xFFFFD800, s16;
	[sflag:s30] =	ssyncadd.s32 $0xFFFFC000  }
0x2d: {  	[hbm4b:s12+s3] =	stream.linear.scatter [tilespmem:s19], [sflag:$0x7], $0x4000, $0x38;
	[tilespmem:$0x1AC00] =	vst v63  }
0x2e: {  	_ =	swait.ge [sflag:s31], $0x4000  }
0x2f: {  	[sflag:s31] =	ssyncset.done $0x0  }
0x30: {  	s10 =	sadd.s32 $0xFFFFE000, s16;
	[sflag:s31] =	ssyncadd.s32 $0xFFFFC000  }
0x31: {  	[hbm4b:s10+s3] =	stream.linear.scatter [tilespmem:s20], [sflag:$0x8], $0x4000, $0x38;
	[tilespmem:$0x1AC00] =	vst v63  }
0x32: {  	_ =	swait.ge [sflag:s2], $0x4000  }
0x33: {  	[sflag:s2] =	ssyncset.done $0x0  }
0x34: {  	s11 =	sadd.s32 $0xFFFFE800, s16;
	[sflag:s2] =	ssyncadd.s32 $0xFFFFC000  }
0x35: {  	[hbm4b:s11+s3] =	stream.linear.scatter [tilespmem:s22], [sflag:$0x9], $0x4000, $0x38;
	[tilespmem:$0x1AC00] =	vst v63  }
0x36: {  	_ =	swait.ge [sflag:s0], $0x4000  }
0x37: {  	[sflag:s0] =	ssyncset.done $0x0  }
0x38: {  	s12 =	sadd.s32 $0xFFFFF000, s16;
	[sflag:s0] =	ssyncadd.s32 $0xFFFFC000  }
0x39: {  	[hbm4b:s12+s3] =	stream.linear.scatter [tilespmem:s24], [sflag:$0xA], $0x4000, $0x38;
	[tilespmem:$0x1AC00] =	vst v63  }
0x3a: {  	_ =	swait.ge [sflag:s21], $0x4000  }
0x3b: {  	[sflag:s21] =	ssyncset.done $0x0  }
0x3c: {  	s10 =	sadd.s32 $0xFFFFF800, s16;
	[sflag:s21] =	ssyncadd.s32 $0xFFFFC000  }
0x3d: {  	[hbm4b:s10+s3] =	stream.linear.scatter [tilespmem:s26], [sflag:$0xB], $0x4000, $0x38;
	[tilespmem:$0x1AC00] =	vst v63  }
0x3e: {  	_ =	swait.ge [sflag:s23], $0x4000  }
0x3f: {  	[sflag:s23] =	ssyncset.done $0x0  }
0x40: {  	[sflag:s23] =	ssyncadd.s32 $0xFFFFC000  }
0x41: {  	[hbm4b:s16+s3] =	stream.linear.scatter [tilespmem:s29], [sflag:$0xC], $0x4000, $0x38;
	[tilespmem:$0x1AC00] =	vst v63  }
0x42: {  	_ =	swait.ge [sflag:s25], $0x4000  }
0x43: {  	[sflag:s25] =	ssyncset.done $0x0  }
0x44: {  	s11 =	simm.s32 $0x300;
	[sflag:s25] =	ssyncadd.s32 $0xFFFFC000  }
0x45: {  	[tilespmem:s19], [sflag:$0x1] =	stream.indirect.gather [hbm4b:s1+s18], $0x80, s11, s18, $0xb8;
	[tilespmem:$0x1AC00] =	vst v63  }
0x46: {  	_ =	swait.ge [sflag:s28], $0x4000  }
0x47: {  	[sflag:s28] =	ssyncset.done $0x0  }
0x48: {  	s12 =	simm.s32 $0x380;
	[sflag:s28] =	ssyncadd.s32 $0xFFFFC000  }
0x49: {  	[tilespmem:s20], [sflag:$0x2] =	stream.indirect.gather [hbm4b:s1+s18], $0x80, s12, s18, $0xb8;
	[tilespmem:$0x1AC00] =	vst v63  }
0x4a: {  	_ =	swait.ge [sflag:s4], $0x4000  }
0x4b: {  	[sflag:s4] =	ssyncset.done $0x0  }
0x4c: {  	s10 =	simm.s32 $0x400;
	[sflag:s4] =	ssyncadd.s32 $0xFFFFC000  }
0x4d: {  	[tilespmem:s22], [sflag:$0x3] =	stream.indirect.gather [hbm4b:s1+s18], $0x80, s10, s18, $0xb8;
	[tilespmem:$0x1AC00] =	vst v63  }
0x4e: {  	_ =	swait.ge [sflag:s5], $0x4000  }
0x4f: {  	[sflag:s5] =	ssyncset.done $0x0  }
0x50: {  	s11 =	simm.s32 $0x480;
	[sflag:s5] =	ssyncadd.s32 $0xFFFFC000  }
0x51: {  	[tilespmem:s24], [sflag:$0x4] =	stream.indirect.gather [hbm4b:s1+s18], $0x80, s11, s18, $0xb8;
	[tilespmem:$0x1AC00] =	vst v63  }
0x52: {  	_ =	swait.ge [sflag:s6], $0x4000  }
0x53: {  	[sflag:s6] =	ssyncset.done $0x0  }
0x54: {  	s12 =	simm.s32 $0x500;
	[sflag:s6] =	ssyncadd.s32 $0xFFFFC000  }
0x55: {  	[tilespmem:s26], [sflag:$0x5] =	stream.indirect.gather [hbm4b:s1+s18], $0x80, s12, s18, $0xb8;
	[tilespmem:$0x1AC00] =	vst v63  }
0x56: {  	_ =	swait.ge [sflag:s7], $0x4000  }
0x57: {  	s9 =	simm.s32 $0xC00;
	[sflag:s7] =	ssyncset.done $0x0  }
0x58: {  	s10 =	sadd.s32 $0x3000, s16;
	s11 =	simm.s32 $0x580;
	[sflag:s7] =	ssyncadd.s32 $0xFFFFC000  }
.LBB2_2:
0x59: {  	[tilespmem:s29], [sflag:$0x6] =	stream.indirect.gather [hbm4b:s1+s18], $0x80, s11, s18, $0xb8;
	[tilespmem:$0x1AC00] =	vst v63  }
0x5a: {  	s11 =	smov.u32 s9  }
0x5b: {  	p0 =	sne.s32 s9, $0x8400;
	s9 =	sadd.s32 $0xC00, s9;
	_ =	swait.ge [sflag:s30], $0x4000  }
0x5c: {  	[sflag:s30] =	ssyncset.done $0x0  }
0x5d: {  	s12 =	sadd.s32 $0xFFFFD800, s10;
	[sflag:s30] =	ssyncadd.s32 $0xFFFFC000  }
0x5e: {  	[hbm4b:s12+s3] =	stream.linear.scatter [tilespmem:s19], [sflag:$0x7], $0x4000, $0x38;
	[tilespmem:$0x1AC00] =	vst v63  }
0x5f: {  	_ =	swait.ge [sflag:s31], $0x4000  }
0x60: {  	[sflag:s31] =	ssyncset.done $0x0  }
0x61: {  	s12 =	sadd.s32 $0xFFFFE000, s10;
	[sflag:s31] =	ssyncadd.s32 $0xFFFFC000  }
0x62: {  	[hbm4b:s12+s3] =	stream.linear.scatter [tilespmem:s20], [sflag:$0x8], $0x4000, $0x38;
	[tilespmem:$0x1AC00] =	vst v63  }
0x63: {  	_ =	swait.ge [sflag:s2], $0x4000  }
0x64: {  	[sflag:s2] =	ssyncset.done $0x0  }
0x65: {  	s12 =	sadd.s32 $0xFFFFE800, s10;
	[sflag:s2] =	ssyncadd.s32 $0xFFFFC000  }
0x66: {  	[hbm4b:s12+s3] =	stream.linear.scatter [tilespmem:s22], [sflag:$0x9], $0x4000, $0x38;
	[tilespmem:$0x1AC00] =	vst v63  }
0x67: {  	_ =	swait.ge [sflag:s0], $0x4000  }
0x68: {  	[sflag:s0] =	ssyncset.done $0x0  }
0x69: {  	s12 =	sadd.s32 $0xFFFFF000, s10;
	[sflag:s0] =	ssyncadd.s32 $0xFFFFC000  }
0x6a: {  	[hbm4b:s12+s3] =	stream.linear.scatter [tilespmem:s24], [sflag:$0xA], $0x4000, $0x38;
	[tilespmem:$0x1AC00] =	vst v63  }
0x6b: {  	_ =	swait.ge [sflag:s21], $0x4000  }
0x6c: {  	[sflag:s21] =	ssyncset.done $0x0  }
0x6d: {  	s12 =	sadd.s32 $0xFFFFF800, s10;
	[sflag:s21] =	ssyncadd.s32 $0xFFFFC000  }
0x6e: {  	[hbm4b:s12+s3] =	stream.linear.scatter [tilespmem:s26], [sflag:$0xB], $0x4000, $0x38;
	[tilespmem:$0x1AC00] =	vst v63  }
0x6f: {  	_ =	swait.ge [sflag:s23], $0x4000  }
0x70: {  	[sflag:s23] =	ssyncset.done $0x0  }
0x71: {  	[sflag:s23] =	ssyncadd.s32 $0xFFFFC000  }
0x72: {  	[hbm4b:s10+s3] =	stream.linear.scatter [tilespmem:s29], [sflag:$0xC], $0x4000, $0x38;
	[tilespmem:$0x1AC00] =	vst v63  }
0x73: {  	_ =	swait.ge [sflag:s25], $0x4000  }
0x74: {  	s11 =	sshra.s32 s11, $0x2;
	[sflag:s25] =	ssyncset.done $0x0  }
0x75: {  	s12 =	sadd.s32 $0x300, s11;
	[sflag:s25] =	ssyncadd.s32 $0xFFFFC000  }
0x76: {  	[tilespmem:s19], [sflag:$0x1] =	stream.indirect.gather [hbm4b:s1+s18], $0x80, s12, s18, $0xb8;
	[tilespmem:$0x1AC00] =	vst v63  }
0x77: {  	_ =	swait.ge [sflag:s28], $0x4000  }
0x78: {  	[sflag:s28] =	ssyncset.done $0x0  }
0x79: {  	s12 =	sadd.s32 $0x380, s11;
	[sflag:s28] =	ssyncadd.s32 $0xFFFFC000  }
0x7a: {  	[tilespmem:s20], [sflag:$0x2] =	stream.indirect.gather [hbm4b:s1+s18], $0x80, s12, s18, $0xb8;
	[tilespmem:$0x1AC00] =	vst v63  }
0x7b: {  	_ =	swait.ge [sflag:s4], $0x4000  }
0x7c: {  	[sflag:s4] =	ssyncset.done $0x0  }
0x7d: {  	s12 =	sadd.s32 $0x400, s11;
	[sflag:s4] =	ssyncadd.s32 $0xFFFFC000  }
0x7e: {  	[tilespmem:s22], [sflag:$0x3] =	stream.indirect.gather [hbm4b:s1+s18], $0x80, s12, s18, $0xb8;
	[tilespmem:$0x1AC00] =	vst v63  }
0x7f: {  	_ =	swait.ge [sflag:s5], $0x4000  }
0x80: {  	[sflag:s5] =	ssyncset.done $0x0  }
0x81: {  	s12 =	sadd.s32 $0x480, s11;
	[sflag:s5] =	ssyncadd.s32 $0xFFFFC000  }
0x82: {  	[tilespmem:s24], [sflag:$0x4] =	stream.indirect.gather [hbm4b:s1+s18], $0x80, s12, s18, $0xb8;
	[tilespmem:$0x1AC00] =	vst v63  }
0x83: {  	_ =	swait.ge [sflag:s6], $0x4000  }
0x84: {  	[sflag:s6] =	ssyncset.done $0x0  }
.Ltmp0:
0x85: {  	s12 =	sadd.s32 $0x500, s11;
	[sflag:s6] =	ssyncadd.s32 $0xFFFFC000;
	(pc) =	sbr.rel @p0 .LBB2_2-.Ltmp0, $4  }
0x86: {  	[tilespmem:s26], [sflag:$0x5] =	stream.indirect.gather [hbm4b:s1+s18], $0x80, s12, s18, $0xb8;
	[tilespmem:$0x1AC00] =	vst v63  }
0x87: {  	_ =	swait.ge [sflag:s7], $0x4000  }
0x88: {  	[sflag:s7] =	ssyncset.done $0x0  }
0x89: {  	s10 =	sadd.s32 $0x3000, s10;
	s11 =	sadd.s32 $0x580, s11;
	[sflag:s7] =	ssyncadd.s32 $0xFFFFC000  }
0x8a: {  	[tilespmem:s29], [sflag:$0x6] =	stream.indirect.gather [hbm4b:s1+s18], $0x80, s11, s18, $0xb8;
	[tilespmem:$0x1AC00] =	vst v63  }
0x8b: {  	_ =	swait.ge [sflag:s30], $0x4000  }
0x8c: {  	[sflag:s30] =	ssyncset.done $0x0  }
0x8d: {  	s9 =	rddreg [dreg:$0x5];
	[sflag:s30] =	ssyncadd.s32 $0xFFFFC000  }
0x8e: {  	[hbm4b:s9+s3] =	stream.linear.scatter [tilespmem:s19], [sflag:$0x7], $0x4000, $0x38;
	[tilespmem:$0x1AC00] =	vst v63  }
0x8f: {  	_ =	swait.ge [sflag:s31], $0x4000  }
0x90: {  	[sflag:s31] =	ssyncset.done $0x0  }
0x91: {  	s11 =	rddreg [dreg:$0x6];
	[sflag:s31] =	ssyncadd.s32 $0xFFFFC000  }
0x92: {  	[hbm4b:s11+s3] =	stream.linear.scatter [tilespmem:s20], [sflag:$0x8], $0x4000, $0x38;
	[tilespmem:$0x1AC00] =	vst v63  }
0x93: {  	_ =	swait.ge [sflag:s2], $0x4000  }
0x94: {  	[sflag:s2] =	ssyncset.done $0x0  }
0x95: {  	s12 =	rddreg [dreg:$0x7];
	[sflag:s2] =	ssyncadd.s32 $0xFFFFC000  }
0x96: {  	[hbm4b:s12+s3] =	stream.linear.scatter [tilespmem:s22], [sflag:$0x9], $0x4000, $0x38;
	[tilespmem:$0x1AC00] =	vst v63  }
0x97: {  	_ =	swait.ge [sflag:s0], $0x4000  }
0x98: {  	[sflag:s0] =	ssyncset.done $0x0  }
0x99: {  	s10 =	rddreg [dreg:$0x8];
	[sflag:s0] =	ssyncadd.s32 $0xFFFFC000  }
0x9a: {  	[hbm4b:s10+s3] =	stream.linear.scatter [tilespmem:s24], [sflag:$0xA], $0x4000, $0x38;
	[tilespmem:$0x1AC00] =	vst v63  }
0x9b: {  	_ =	swait.ge [sflag:s21], $0x4000  }
0x9c: {  	[sflag:s21] =	ssyncset.done $0x0  }
0x9d: {  	s11 =	rddreg [dreg:$0x9];
	[sflag:s21] =	ssyncadd.s32 $0xFFFFC000  }
0x9e: {  	[hbm4b:s11+s3] =	stream.linear.scatter [tilespmem:s26], [sflag:$0xB], $0x4000, $0x38;
	[tilespmem:$0x1AC00] =	vst v63  }
0x9f: {  	_ =	swait.ge [sflag:s23], $0x4000  }
0xa0: {  	[sflag:s23] =	ssyncset.done $0x0  }
0xa1: {  	s12 =	rddreg [dreg:$0xa];
	[sflag:s23] =	ssyncadd.s32 $0xFFFFC000  }
0xa2: {  	[hbm4b:s12+s3] =	stream.linear.scatter [tilespmem:s29], [sflag:$0xC], $0x4000, $0x38;
	[tilespmem:$0x1AC00] =	vst v63  }
0xa3: {  	_ =	swait.ge [sflag:s25], $0x4000  }
0xa4: {  	[sflag:s25] =	ssyncset.done $0x0  }
0xa5: {  	s10 =	simm.s32 $0x2700;
	[sflag:s25] =	ssyncadd.s32 $0xFFFFC000  }
0xa6: {  	[tilespmem:s19], [sflag:$0x1] =	stream.indirect.gather [hbm4b:s1+s18], $0x80, s10, s18, $0xb8;
	[tilespmem:$0x1AC00] =	vst v63  }
0xa7: {  	_ =	swait.ge [sflag:s28], $0x4000  }
0xa8: {  	[sflag:s28] =	ssyncset.done $0x0  }
0xa9: {  	s11 =	simm.s32 $0x2780;
	[sflag:s28] =	ssyncadd.s32 $0xFFFFC000  }
0xaa: {  	[tilespmem:s20], [sflag:$0x2] =	stream.indirect.gather [hbm4b:s1+s18], $0x80, s11, s18, $0xb8;
	[tilespmem:$0x1AC00] =	vst v63  }
0xab: {  	_ =	swait.ge [sflag:s4], $0x4000  }
0xac: {  	[sflag:s4] =	ssyncset.done $0x0  }
0xad: {  	s12 =	simm.s32 $0x2800;
	[sflag:s4] =	ssyncadd.s32 $0xFFFFC000  }
0xae: {  	[tilespmem:s22], [sflag:$0x3] =	stream.indirect.gather [hbm4b:s1+s18], $0x80, s12, s18, $0xb8;
	[tilespmem:$0x1AC00] =	vst v63  }
0xaf: {  	_ =	swait.ge [sflag:s5], $0x4000  }
0xb0: {  	[sflag:s5] =	ssyncset.done $0x0  }
0xb1: {  	s10 =	simm.s32 $0x2880;
	[sflag:s5] =	ssyncadd.s32 $0xFFFFC000  }
0xb2: {  	[tilespmem:s24], [sflag:$0x4] =	stream.indirect.gather [hbm4b:s1+s18], $0x80, s10, s18, $0xb8;
	[tilespmem:$0x1AC00] =	vst v63  }
0xb3: {  	_ =	swait.ge [sflag:s6], $0x4000  }
0xb4: {  	[sflag:s6] =	ssyncset.done $0x0  }
0xb5: {  	[sflag:s6] =	ssyncadd.s32 $0xFFFFC000  }
0xb6: {  	_ =	swait.ge [sflag:s7], $0x4000  }
0xb7: {  	[sflag:s7] =	ssyncset.done $0x0  }
0xb8: {  	[sflag:s7] =	ssyncadd.s32 $0xFFFFC000  }
0xb9: {  	_ =	swait.ge [sflag:s30], $0x4000  }
0xba: {  	[sflag:s30] =	ssyncset.done $0x0  }
0xbb: {  	s11 =	rddreg [dreg:$0xb];
	[sflag:s30] =	ssyncadd.s32 $0xFFFFC000  }
0xbc: {  	[hbm4b:s11+s3] =	stream.linear.scatter [tilespmem:s19], [sflag:$0xD], $0x800, $0x38;
	[tilespmem:$0x1AC00] =	vst v63  }
0xbd: {  	_ =	swait.ge [sflag:s17], $0x800  }
0xbe: {  	[sflag:s17] =	ssyncset.done $0x0  }
0xbf: {  	[sflag:s17] =	ssyncadd.s32 $0xFFFFF800  }
0xc0: {  	_ =	swait.ge [sflag:s31], $0x4000  }
0xc1: {  	[sflag:s31] =	ssyncset.done $0x0  }
0xc2: {  	s12 =	rddreg [dreg:$0xc];
	[sflag:s31] =	ssyncadd.s32 $0xFFFFC000  }
0xc3: {  	[hbm4b:s12+s3] =	stream.linear.scatter [tilespmem:s20], [sflag:$0xD], $0x4000, $0x38;
	[tilespmem:$0x1AC00] =	vst v63  }
0xc4: {  	_ =	swait.ge [sflag:s17], $0x4000  }
0xc5: {  	[sflag:s17] =	ssyncset.done $0x0  }
0xc6: {  	[sflag:s17] =	ssyncadd.s32 $0xFFFFC000  }
0xc7: {  	_ =	swait.ge [sflag:s2], $0x4000  }
0xc8: {  	[sflag:s2] =	ssyncset.done $0x0  }
0xc9: {  	[sflag:s2] =	ssyncadd.s32 $0xFFFFC000  }
0xca: {  	[hbm4b:s13+s3] =	stream.linear.scatter [tilespmem:s22], [sflag:$0xD], $0x4000, $0x38;
	[tilespmem:$0x1AC00] =	vst v63  }
0xcb: {  	_ =	swait.ge [sflag:s17], $0x4000  }
0xcc: {  	[sflag:s17] =	ssyncset.done $0x0  }
0xcd: {  	[sflag:s17] =	ssyncadd.s32 $0xFFFFC000  }
0xce: {  	s8 =	sadd.s32 $0x1, s8;
	_ =	swait.ge [sflag:s0], $0x4000  }
0xcf: {  	p0 =	sne.s32 s8, s15;
	[sflag:s0] =	ssyncset.done $0x0  }
.Ltmp1:
0xd0: {  	[sflag:s0] =	ssyncadd.s32 $0xFFFFC000;
	(pc) =	sbr.rel @p0 .LBB2_1-.Ltmp1, $4  }
0xd1: {  	[hbm4b:s14+s3] =	stream.linear.scatter [tilespmem:s24], [sflag:$0xD], $0x4000, $0x38;
	[tilespmem:$0x1AC00] =	vst v63  }
0xd2: {  	_ =	swait.ge [sflag:s17], $0x4000  }
0xd3: {  	[sflag:s17] =	ssyncset.done $0x0  }
0xd4: {  	[sflag:s17] =	ssyncadd.s32 $0xFFFFC000  }
0xd5: {  	_ =	sfence.sel $0x180000  }
0xd6: {  	[bflag:$0x0] =	sbarrier.arrive $0xFFFF  }
0xd7: {  	_ =	strace $0x90000047  }
0xd8: {  	s0 =	stileid.u32;
	[bflag:$0x2] =	sbarrier.arrive $0xFFFF  }
0xd9: {  	p0 =	sne.s32 s0, $0x0;
	s0 =	rddreg [dreg:$0x3]  }
0xda: {  	s0 =	sadd.s32 @!p0 $0x100000, s0  }
0xdb: {  	[sflag:s0] =	ssyncadd.tile.s32 @!p0 $0x1;
	_ =	shalt  }
.Lfunc_end2:
_tile_overlayer_lowered:
.L_overlay_start_2:
0xdc: {  	(tag) =	ssettag $0x2  }
0xdd: {  	s0 =	rddreg [dreg:$0x0];
	s2 =	stileid.u32  }
0xde: {  	s1 =	rddreg [dreg:$0x1];
	p0 =	sne.s32 s2, $0x0  }
0xdf: {  	s3 =	rddreg [dreg:$0x2];
	[bflag:$0x3] =	sbarrier.arrive $0xFFFF;
	s2 =	simm.s32 @!p0 $0x1C0D  }
0xe0: {  	[timem:s3], [sflag:s2] =	dma.local @!p0 [hbm:s0], s1  }
0xe1: {  	s0 =	simm.s32 @!p0 $0xD  }
0xe2: {  	_ =	swait.ge @!p0 [sflag:s0], s1  }
0xe3: {  	s1 =	ssub.s32 @!p0 $0x0, s1;
	[sflag:s0] =	ssyncset.done @!p0 $0x0  }
0xe4: {  	[sflag:s0] =	ssyncadd.s32 @!p0 s1  }
0xe5: {  	[bflag:$0x3] =	sbarrier.arrive $0xFFFF  }
0xe6: {  	_ =	shalt  }

</sc_bundles>
